<compile_context>
chip_gen: v7x
topology: tpu7x:2x2x1
jax: 0.10.2.dev20260603
libtpu: 0.0.44.dev20260713+nightly
codegen_flags: <defaults>
</compile_context>

<pallas_src>
import functools

import jax
import jax.numpy as jnp
from jax import lax
from jax.experimental import pallas as pl
from jax.experimental.pallas import tpu as pltpu
from jax.experimental.pallas import tpu_sc as plsc

N_WORD = 128
B = 4096
L = 50
LP = L + 2

NC = 2
NS = 16
NW = NC * NS
BW = B // NW
NBUF = 5


def _sc_embed(table, idx_t):
    mesh = plsc.VectorSubcoreMesh(core_axis_name="c", subcore_axis_name="s")

    @functools.partial(
        pl.kernel,
        mesh=mesh,
        out_type=jax.ShapeDtypeStruct((LP, B, N_WORD), jnp.float32),
        scratch_types=[
            pltpu.VMEM((L, BW), jnp.int32),
            pltpu.VMEM((BW, N_WORD), jnp.float32),
            pltpu.VMEM((BW, N_WORD), jnp.float32),
            pltpu.VMEM((BW, N_WORD), jnp.float32),
            pltpu.VMEM((BW, N_WORD), jnp.float32),
            pltpu.VMEM((BW, N_WORD), jnp.float32),
            pltpu.VMEM((BW, N_WORD), jnp.float32),
            pltpu.SemaphoreType.DMA,
            pltpu.SemaphoreType.DMA,
            pltpu.SemaphoreType.DMA,
            pltpu.SemaphoreType.DMA,
            pltpu.SemaphoreType.DMA,
            pltpu.SemaphoreType.DMA,
            pltpu.SemaphoreType.DMA,
            pltpu.SemaphoreType.DMA,
            pltpu.SemaphoreType.DMA,
            pltpu.SemaphoreType.DMA,
            pltpu.SemaphoreType.DMA,
            pltpu.SemaphoreType.DMA,
        ],
    )
    def k(table_hbm, idx_hbm, out_hbm,
          idx_v, zbuf, b0_, b1_, b2_, b3_, b4_,
          isem, zsem, g0_, g1_, g2_, g3_, g4_,
          w0_, w1_, w2_, w3_, w4_):
        wid = lax.axis_index("c") * NS + lax.axis_index("s")
        b0 = wid * BW
        bufs = (b0_, b1_, b2_, b3_, b4_)
        gsems = (g0_, g1_, g2_, g3_, g4_)
        wsems = (w0_, w1_, w2_, w3_, w4_)

        idx_cp = [
            pltpu.async_copy(idx_hbm.at[:, pl.ds(b0, BW)], idx_v, isem)
        ]

        zeros16 = jnp.zeros((16,), jnp.float32)

        def zfill(r, carry):
            for cc in range(N_WORD // 16):
                zbuf[r, pl.ds(cc * 16, 16)] = zeros16
            return carry

        lax.fori_loop(0, BW, zfill, 0)

        zw0 = pltpu.async_copy(zbuf, out_hbm.at[0, pl.ds(b0, BW)], zsem)
        zw1 = pltpu.async_copy(zbuf, out_hbm.at[LP - 1, pl.ds(b0, BW)], zsem)

        for cp in idx_cp:
            cp.wait()

        def fire_gather(i, buf, sem):
            pltpu.async_copy(table_hbm.at[idx_v.at[i]], buf, sem)

        def wait_gather(i, buf, sem):
            pltpu.make_async_copy(table_hbm.at[idx_v.at[i]], buf, sem).wait()

        def fire_write(i, buf, sem):
            pltpu.async_copy(buf, out_hbm.at[i + 1, pl.ds(b0, BW)], sem)

        def wait_write(i, buf, sem):
            pltpu.make_async_copy(
                buf, out_hbm.at[i + 1, pl.ds(b0, BW)], sem
            ).wait()

        for j in range(NBUF):
            fire_gather(j, bufs[j], gsems[j])

        def body(p, carry):
            i = p * NBUF
            for j in range(NBUF):
                wait_gather(i + j, bufs[j], gsems[j])
                fire_write(i + j, bufs[j], wsems[j])
            for j in range(NBUF):
                wait_write(i + j, bufs[j], wsems[j])
                fire_gather(i + NBUF + j, bufs[j], gsems[j])
            return carry

        lax.fori_loop(0, L // NBUF - 2, body, 0)

        i = L - 2 * NBUF
        for j in range(NBUF):
            wait_gather(i + j, bufs[j], gsems[j])
            fire_write(i + j, bufs[j], wsems[j])
        for j in range(NBUF):
            wait_write(i + j, bufs[j], wsems[j])
            fire_gather(i + NBUF + j, bufs[j], gsems[j])
        i = L - NBUF
        for j in range(NBUF):
            wait_gather(i + j, bufs[j], gsems[j])
            fire_write(i + j, bufs[j], wsems[j])
        for j in range(NBUF):
            wait_write(i + j, bufs[j], wsems[j])
        zw0.wait()
        zw1.wait()

    return k(table, idx_t)


def kernel(table, indices):
    out = _sc_embed(table, indices.astype(jnp.int32).T)
    return out.transpose(1, 0, 2)

# --- scband reference (transcript-rebuilt; emitter-appended) ---
"""Pipeline reference for scband-word-embedding-84825604096552 (READ-ONLY COPY).

The authoritative reference and input builder live on the scoring server;
editing this copy changes nothing except your own understanding.
"""

import jax, jax.numpy as jnp
import numpy as np

VOCAB = 1000000
N_WORD = 128
B = 4096
L = 50


def setup_inputs(seed: int = 0) -> dict:
    key = jax.random.key(seed)
    k1, k2 = jax.random.split(key)
    # GloVe-style fixed embedding table materialized as a dense matrix.
    table = jax.random.normal(k1, (VOCAB, N_WORD), dtype=jnp.float32) * 0.02
    # Token ids for a batch of questions (word -> row index in the table).
    indices = jax.random.randint(k2, (B, L), 0, VOCAB)
    return {"table": table, "indices": indices}


def reference(table, indices):
    # gen_x_batch: look up each word's embedding (dict .get -> dense gather),
    # then prepend/append a zero <BEG>/<END> vector, as the original does with
    # [np.zeros(N_word)] + q_value + [np.zeros(N_word)].
    emb = jnp.take(table, indices, axis=0)  # [B, L, N_word]
    out = jnp.pad(emb, ((0, 0), (1, 1), (0, 0)))  # [B, L+2, N_word]
    return out

if __name__ == "__main__":
    import jax
    _d = setup_inputs()
    print(jax.jit(kernel)(*tuple(_d.values())))

</pallas_src>

<mosaic_0001>
#map = affine_map<(d0, d1) -> (0, 0)>
#map1 = affine_map<(d0, d1) -> (0, 0, 0)>
module attributes {stable_mosaic.version = 14 : i64} {
  func.func @k(%arg0: i32, %arg1: i32, %arg2: memref<1000000x128xf32, #tpu.memory_space<hbm>>, %arg3: memref<50x4096xi32, #tpu.memory_space<hbm>>, %arg4: memref<52x4096x128xf32, #tpu.memory_space<hbm>>, %arg5: memref<50x128xi32, #tpu.memory_space<vmem>>, %arg6: memref<128x128xf32, #tpu.memory_space<vmem>>, %arg7: memref<128x128xf32, #tpu.memory_space<vmem>>, %arg8: memref<128x128xf32, #tpu.memory_space<vmem>>, %arg9: memref<128x128xf32, #tpu.memory_space<vmem>>, %arg10: memref<128x128xf32, #tpu.memory_space<vmem>>, %arg11: memref<128x128xf32, #tpu.memory_space<vmem>>, %arg12: memref<!tpu.dma_semaphore, #tpu.memory_space<semaphore_mem>>, %arg13: memref<!tpu.dma_semaphore, #tpu.memory_space<semaphore_mem>>, %arg14: memref<!tpu.dma_semaphore, #tpu.memory_space<semaphore_mem>>, %arg15: memref<!tpu.dma_semaphore, #tpu.memory_space<semaphore_mem>>, %arg16: memref<!tpu.dma_semaphore, #tpu.memory_space<semaphore_mem>>, %arg17: memref<!tpu.dma_semaphore, #tpu.memory_space<semaphore_mem>>, %arg18: memref<!tpu.dma_semaphore, #tpu.memory_space<semaphore_mem>>, %arg19: memref<!tpu.dma_semaphore, #tpu.memory_space<semaphore_mem>>, %arg20: memref<!tpu.dma_semaphore, #tpu.memory_space<semaphore_mem>>, %arg21: memref<!tpu.dma_semaphore, #tpu.memory_space<semaphore_mem>>, %arg22: memref<!tpu.dma_semaphore, #tpu.memory_space<semaphore_mem>>, %arg23: memref<!tpu.dma_semaphore, #tpu.memory_space<semaphore_mem>>) attributes {dimension_semantics = [#tpu.dimension_semantics<core_parallel>, #tpu.dimension_semantics<subcore_parallel>], iteration_bounds = array<i64: 2, 16>, scalar_prefetch = 0 : i64, scratch_operands = 19 : i64, tpu.core_type = #tpu.core_type<sc_vector_subcore>, window_params = [{transform_indices = #map}, {transform_indices = #map}, {transform_indices = #map1}]} {
    %mul3A = arith.constant 16 : i32
    %mul3A_0 = arith.muli %arg0, %mul3A : i32
    %add3A = arith.addi %mul3A_0, %arg1 : i32
    %mul3A_1 = arith.constant 128 : i32
    %mul3A_2 = arith.muli %add3A, %mul3A_1 : i32
    %dma_start3A = arith.constant 0 : i32
    %dma_start3A_3 = tpu.memref_slice %arg3[%dma_start3A, %mul3A_2] : memref<50x4096xi32, #tpu.memory_space<hbm>> -> memref<50x128xi32, #tpu.memory_space<hbm>>
    %dma_start3A_4 = arith.constant 0 : i32
    %dma_start3A_5 = tpu.memref_slice %arg3[%dma_start3A_4, %mul3A_2] : memref<50x4096xi32, #tpu.memory_space<hbm>> -> memref<50x128xi32, #tpu.memory_space<hbm>>
    tpu.enqueue_dma source(%dma_start3A_5 : memref<50x128xi32, #tpu.memory_space<hbm>>) target(%arg5 : memref<50x128xi32, #tpu.memory_space<vmem>>) target_semaphore(%arg12 : memref<!tpu.dma_semaphore, #tpu.memory_space<semaphore_mem>>)
    %broadcast_in_dim3A = arith.constant 0.000000e+00 : f32
    %broadcast_in_dim3A_6 = vector.broadcast %broadcast_in_dim3A : f32 to vector<16xf32>
    %scan3A = arith.constant 0 : i32
    %scan3A_7 = arith.constant 0 : i32
    %scan3A_8 = arith.constant 128 : i32
    %scan3A_9 = arith.addi %scan3A_7, %scan3A_8 : i32
    %scan3A_10 = arith.constant 1 : i32
    scf.for %scan3A_329 = %scan3A_7 to %scan3A_9 step %scan3A_10  : i32 {
      %swap3A = arith.index_cast %scan3A_329 : i32 to index
      %swap3A_330 = arith.constant 0 : index
      %swap3A_331 = tpu.vector_load %arg6[%swap3A, %swap3A_330] {strides = array<i32>} : memref<128x128xf32, #tpu.memory_space<vmem>>, vector<1x16xf32>,
      %swap3A_332 = vector.shape_cast %swap3A_331 : vector<1x16xf32> to vector<16xf32>
      %swap3A_333 = vector.shape_cast %broadcast_in_dim3A_6 : vector<16xf32> to vector<1x16xf32>
      tpu.vector_store %arg6[%swap3A, %swap3A_330], %swap3A_333 {strides = array<i32>} : memref<128x128xf32, #tpu.memory_space<vmem>>, vector<1x16xf32>,
      %swap3A_334 = arith.index_cast %scan3A_329 : i32 to index
      %swap3A_335 = arith.constant 16 : index
      %swap3A_336 = tpu.vector_load %arg6[%swap3A_334, %swap3A_335] {strides = array<i32>} : memref<128x128xf32, #tpu.memory_space<vmem>>, vector<1x16xf32>,
      %swap3A_337 = vector.shape_cast %swap3A_336 : vector<1x16xf32> to vector<16xf32>
      %swap3A_338 = vector.shape_cast %broadcast_in_dim3A_6 : vector<16xf32> to vector<1x16xf32>
      tpu.vector_store %arg6[%swap3A_334, %swap3A_335], %swap3A_338 {strides = array<i32>} : memref<128x128xf32, #tpu.memory_space<vmem>>, vector<1x16xf32>,
      %swap3A_339 = arith.index_cast %scan3A_329 : i32 to index
      %swap3A_340 = arith.constant 32 : index
      %swap3A_341 = tpu.vector_load %arg6[%swap3A_339, %swap3A_340] {strides = array<i32>} : memref<128x128xf32, #tpu.memory_space<vmem>>, vector<1x16xf32>,
      %swap3A_342 = vector.shape_cast %swap3A_341 : vector<1x16xf32> to vector<16xf32>
      %swap3A_343 = vector.shape_cast %broadcast_in_dim3A_6 : vector<16xf32> to vector<1x16xf32>
      tpu.vector_store %arg6[%swap3A_339, %swap3A_340], %swap3A_343 {strides = array<i32>} : memref<128x128xf32, #tpu.memory_space<vmem>>, vector<1x16xf32>,
      %swap3A_344 = arith.index_cast %scan3A_329 : i32 to index
      %swap3A_345 = arith.constant 48 : index
      %swap3A_346 = tpu.vector_load %arg6[%swap3A_344, %swap3A_345] {strides = array<i32>} : memref<128x128xf32, #tpu.memory_space<vmem>>, vector<1x16xf32>,
      %swap3A_347 = vector.shape_cast %swap3A_346 : vector<1x16xf32> to vector<16xf32>
      %swap3A_348 = vector.shape_cast %broadcast_in_dim3A_6 : vector<16xf32> to vector<1x16xf32>
      tpu.vector_store %arg6[%swap3A_344, %swap3A_345], %swap3A_348 {strides = array<i32>} : memref<128x128xf32, #tpu.memory_space<vmem>>, vector<1x16xf32>,
      %swap3A_349 = arith.index_cast %scan3A_329 : i32 to index
      %swap3A_350 = arith.constant 64 : index
      %swap3A_351 = tpu.vector_load %arg6[%swap3A_349, %swap3A_350] {strides = array<i32>} : memref<128x128xf32, #tpu.memory_space<vmem>>, vector<1x16xf32>,
      %swap3A_352 = vector.shape_cast %swap3A_351 : vector<1x16xf32> to vector<16xf32>
      %swap3A_353 = vector.shape_cast %broadcast_in_dim3A_6 : vector<16xf32> to vector<1x16xf32>
      tpu.vector_store %arg6[%swap3A_349, %swap3A_350], %swap3A_353 {strides = array<i32>} : memref<128x128xf32, #tpu.memory_space<vmem>>, vector<1x16xf32>,
      %swap3A_354 = arith.index_cast %scan3A_329 : i32 to index
      %swap3A_355 = arith.constant 80 : index
      %swap3A_356 = tpu.vector_load %arg6[%swap3A_354, %swap3A_355] {strides = array<i32>} : memref<128x128xf32, #tpu.memory_space<vmem>>, vector<1x16xf32>,
      %swap3A_357 = vector.shape_cast %swap3A_356 : vector<1x16xf32> to vector<16xf32>
      %swap3A_358 = vector.shape_cast %broadcast_in_dim3A_6 : vector<16xf32> to vector<1x16xf32>
      tpu.vector_store %arg6[%swap3A_354, %swap3A_355], %swap3A_358 {strides = array<i32>} : memref<128x128xf32, #tpu.memory_space<vmem>>, vector<1x16xf32>,
      %swap3A_359 = arith.index_cast %scan3A_329 : i32 to index
      %swap3A_360 = arith.constant 96 : index
      %swap3A_361 = tpu.vector_load %arg6[%swap3A_359, %swap3A_360] {strides = array<i32>} : memref<128x128xf32, #tpu.memory_space<vmem>>, vector<1x16xf32>,
      %swap3A_362 = vector.shape_cast %swap3A_361 : vector<1x16xf32> to vector<16xf32>
      %swap3A_363 = vector.shape_cast %broadcast_in_dim3A_6 : vector<16xf32> to vector<1x16xf32>
      tpu.vector_store %arg6[%swap3A_359, %swap3A_360], %swap3A_363 {strides = array<i32>} : memref<128x128xf32, #tpu.memory_space<vmem>>, vector<1x16xf32>,
      %swap3A_364 = arith.index_cast %scan3A_329 : i32 to index
      %swap3A_365 = arith.constant 112 : index
      %swap3A_366 = tpu.vector_load %arg6[%swap3A_364, %swap3A_365] {strides = array<i32>} : memref<128x128xf32, #tpu.memory_space<vmem>>, vector<1x16xf32>,
      %swap3A_367 = vector.shape_cast %swap3A_366 : vector<1x16xf32> to vector<16xf32>
      %swap3A_368 = vector.shape_cast %broadcast_in_dim3A_6 : vector<16xf32> to vector<1x16xf32>
      tpu.vector_store %arg6[%swap3A_364, %swap3A_365], %swap3A_368 {strides = array<i32>} : memref<128x128xf32, #tpu.memory_space<vmem>>, vector<1x16xf32>,
    }
    %scan3A_11 = arith.constant 128 : i32
    %dma_start3A_12 = arith.constant 0 : i32
    %dma_start3A_13 = arith.constant 0 : i32
    %dma_start3A_14 = tpu.memref_slice %arg4[%dma_start3A_12, %mul3A_2, %dma_start3A_13] : memref<52x4096x128xf32, #tpu.memory_space<hbm>> -> memref<1x128x128xf32, #tpu.memory_space<hbm>>
    %dma_start3A_15 = tpu.memref_squeeze %dma_start3A_14 : memref<1x128x128xf32, #tpu.memory_space<hbm>> -> memref<128x128xf32, #tpu.memory_space<hbm>>
    %dma_start3A_16 = arith.constant 0 : i32
    %dma_start3A_17 = tpu.memref_slice %arg4[%dma_start3A_12, %mul3A_2, %dma_start3A_16] : memref<52x4096x128xf32, #tpu.memory_space<hbm>> -> memref<1x128x128xf32, #tpu.memory_space<hbm>>
    %dma_start3A_18 = tpu.memref_squeeze %dma_start3A_17 : memref<1x128x128xf32, #tpu.memory_space<hbm>> -> memref<128x128xf32, #tpu.memory_space<hbm>>
    tpu.enqueue_dma source(%arg6 : memref<128x128xf32, #tpu.memory_space<vmem>>) target(%dma_start3A_18 : memref<128x128xf32, #tpu.memory_space<hbm>>) target_semaphore(%arg13 : memref<!tpu.dma_semaphore, #tpu.memory_space<semaphore_mem>>)
    %dma_start3A_19 = arith.constant 51 : i32
    %dma_start3A_20 = arith.constant 0 : i32
    %dma_start3A_21 = tpu.memref_slice %arg4[%dma_start3A_19, %mul3A_2, %dma_start3A_20] : memref<52x4096x128xf32, #tpu.memory_space<hbm>> -> memref<1x128x128xf32, #tpu.memory_space<hbm>>
    %dma_start3A_22 = tpu.memref_squeeze %dma_start3A_21 : memref<1x128x128xf32, #tpu.memory_space<hbm>> -> memref<128x128xf32, #tpu.memory_space<hbm>>
    %dma_start3A_23 = arith.constant 0 : i32
    %dma_start3A_24 = tpu.memref_slice %arg4[%dma_start3A_19, %mul3A_2, %dma_start3A_23] : memref<52x4096x128xf32, #tpu.memory_space<hbm>> -> memref<1x128x128xf32, #tpu.memory_space<hbm>>
    %dma_start3A_25 = tpu.memref_squeeze %dma_start3A_24 : memref<1x128x128xf32, #tpu.memory_space<hbm>> -> memref<128x128xf32, #tpu.memory_space<hbm>>
    tpu.enqueue_dma source(%arg6 : memref<128x128xf32, #tpu.memory_space<vmem>>) target(%dma_start3A_25 : memref<128x128xf32, #tpu.memory_space<hbm>>) target_semaphore(%arg13 : memref<!tpu.dma_semaphore, #tpu.memory_space<semaphore_mem>>)
    %dma_wait3A = arith.constant 0 : i32
    %dma_wait3A_26 = tpu.memref_slice %arg3[%dma_wait3A, %mul3A_2] : memref<50x4096xi32, #tpu.memory_space<hbm>> -> memref<50x128xi32, #tpu.memory_space<hbm>>
    %dma_wait3A_27 = arith.constant 0 : i32
    %dma_wait3A_28 = tpu.memref_slice %arg3[%dma_wait3A_27, %mul3A_2] : memref<50x4096xi32, #tpu.memory_space<hbm>> -> memref<50x128xi32, #tpu.memory_space<hbm>>
    tpu.wait_dma2 semaphore(%arg12 : memref<!tpu.dma_semaphore, #tpu.memory_space<semaphore_mem>>) src(%dma_wait3A_28 : memref<50x128xi32, #tpu.memory_space<hbm>>) dst(%arg5 : memref<50x128xi32, #tpu.memory_space<vmem>>)
    %dma_start3A_29 = arith.constant 0 : i32
    %dma_start3A_30 = arith.constant 0 : i32
    %dma_start3A_31 = tpu.memref_slice %arg5[%dma_start3A_29, %dma_start3A_30] : memref<50x128xi32, #tpu.memory_space<vmem>> -> memref<1x128xi32, #tpu.memory_space<vmem>>
    %dma_start3A_32 = tpu.memref_squeeze %dma_start3A_31 : memref<1x128xi32, #tpu.memory_space<vmem>> -> memref<128xi32, #tpu.memory_space<vmem>>
    %dma_start3A_33 = arith.constant 0 : i32
    %dma_start3A_34 = arith.constant 0 : i32
    %dma_start3A_35 = tpu.memref_slice %arg2[%dma_start3A_33, %dma_start3A_34] : memref<1000000x128xf32, #tpu.memory_space<hbm>> -> memref<1000000x128xf32, #tpu.memory_space<hbm>>
    tpu.enqueue_indirect_dma source(%dma_start3A_35 : memref<1000000x128xf32, #tpu.memory_space<hbm>>) target(%arg7 : memref<128x128xf32, #tpu.memory_space<vmem>>) offsets(%dma_start3A_32 : memref<128xi32, #tpu.memory_space<vmem>>) semaphore(%arg14 : memref<!tpu.dma_semaphore, #tpu.memory_space<semaphore_mem>>)
    %dma_start3A_36 = arith.constant 1 : i32
    %dma_start3A_37 = arith.constant 0 : i32
    %dma_start3A_38 = tpu.memref_slice %arg5[%dma_start3A_36, %dma_start3A_37] : memref<50x128xi32, #tpu.memory_space<vmem>> -> memref<1x128xi32, #tpu.memory_space<vmem>>
    %dma_start3A_39 = tpu.memref_squeeze %dma_start3A_38 : memref<1x128xi32, #tpu.memory_space<vmem>> -> memref<128xi32, #tpu.memory_space<vmem>>
    %dma_start3A_40 = arith.constant 0 : i32
    %dma_start3A_41 = arith.constant 0 : i32
    %dma_start3A_42 = tpu.memref_slice %arg2[%dma_start3A_40, %dma_start3A_41] : memref<1000000x128xf32, #tpu.memory_space<hbm>> -> memref<1000000x128xf32, #tpu.memory_space<hbm>>
    tpu.enqueue_indirect_dma source(%dma_start3A_42 : memref<1000000x128xf32, #tpu.memory_space<hbm>>) target(%arg8 : memref<128x128xf32, #tpu.memory_space<vmem>>) offsets(%dma_start3A_39 : memref<128xi32, #tpu.memory_space<vmem>>) semaphore(%arg15 : memref<!tpu.dma_semaphore, #tpu.memory_space<semaphore_mem>>)
    %dma_start3A_43 = arith.constant 2 : i32
    %dma_start3A_44 = arith.constant 0 : i32
    %dma_start3A_45 = tpu.memref_slice %arg5[%dma_start3A_43, %dma_start3A_44] : memref<50x128xi32, #tpu.memory_space<vmem>> -> memref<1x128xi32, #tpu.memory_space<vmem>>
    %dma_start3A_46 = tpu.memref_squeeze %dma_start3A_45 : memref<1x128xi32, #tpu.memory_space<vmem>> -> memref<128xi32, #tpu.memory_space<vmem>>
    %dma_start3A_47 = arith.constant 0 : i32
    %dma_start3A_48 = arith.constant 0 : i32
    %dma_start3A_49 = tpu.memref_slice %arg2[%dma_start3A_47, %dma_start3A_48] : memref<1000000x128xf32, #tpu.memory_space<hbm>> -> memref<1000000x128xf32, #tpu.memory_space<hbm>>
    tpu.enqueue_indirect_dma source(%dma_start3A_49 : memref<1000000x128xf32, #tpu.memory_space<hbm>>) target(%arg9 : memref<128x128xf32, #tpu.memory_space<vmem>>) offsets(%dma_start3A_46 : memref<128xi32, #tpu.memory_space<vmem>>) semaphore(%arg16 : memref<!tpu.dma_semaphore, #tpu.memory_space<semaphore_mem>>)
    %dma_start3A_50 = arith.constant 3 : i32
    %dma_start3A_51 = arith.constant 0 : i32
    %dma_start3A_52 = tpu.memref_slice %arg5[%dma_start3A_50, %dma_start3A_51] : memref<50x128xi32, #tpu.memory_space<vmem>> -> memref<1x128xi32, #tpu.memory_space<vmem>>
    %dma_start3A_53 = tpu.memref_squeeze %dma_start3A_52 : memref<1x128xi32, #tpu.memory_space<vmem>> -> memref<128xi32, #tpu.memory_space<vmem>>
    %dma_start3A_54 = arith.constant 0 : i32
    %dma_start3A_55 = arith.constant 0 : i32
    %dma_start3A_56 = tpu.memref_slice %arg2[%dma_start3A_54, %dma_start3A_55] : memref<1000000x128xf32, #tpu.memory_space<hbm>> -> memref<1000000x128xf32, #tpu.memory_space<hbm>>
    tpu.enqueue_indirect_dma source(%dma_start3A_56 : memref<1000000x128xf32, #tpu.memory_space<hbm>>) target(%arg10 : memref<128x128xf32, #tpu.memory_space<vmem>>) offsets(%dma_start3A_53 : memref<128xi32, #tpu.memory_space<vmem>>) semaphore(%arg17 : memref<!tpu.dma_semaphore, #tpu.memory_space<semaphore_mem>>)
    %dma_start3A_57 = arith.constant 4 : i32
    %dma_start3A_58 = arith.constant 0 : i32
    %dma_start3A_59 = tpu.memref_slice %arg5[%dma_start3A_57, %dma_start3A_58] : memref<50x128xi32, #tpu.memory_space<vmem>> -> memref<1x128xi32, #tpu.memory_space<vmem>>
    %dma_start3A_60 = tpu.memref_squeeze %dma_start3A_59 : memref<1x128xi32, #tpu.memory_space<vmem>> -> memref<128xi32, #tpu.memory_space<vmem>>
    %dma_start3A_61 = arith.constant 0 : i32
    %dma_start3A_62 = arith.constant 0 : i32
    %dma_start3A_63 = tpu.memref_slice %arg2[%dma_start3A_61, %dma_start3A_62] : memref<1000000x128xf32, #tpu.memory_space<hbm>> -> memref<1000000x128xf32, #tpu.memory_space<hbm>>
    tpu.enqueue_indirect_dma source(%dma_start3A_63 : memref<1000000x128xf32, #tpu.memory_space<hbm>>) target(%arg11 : memref<128x128xf32, #tpu.memory_space<vmem>>) offsets(%dma_start3A_60 : memref<128xi32, #tpu.memory_space<vmem>>) semaphore(%arg18 : memref<!tpu.dma_semaphore, #tpu.memory_space<semaphore_mem>>)
    %scan3A_64 = arith.constant 0 : i32
    %scan3A_65 = arith.constant 0 : i32
    %scan3A_66 = arith.constant 8 : i32
    %scan3A_67 = arith.addi %scan3A_65, %scan3A_66 : i32
    %scan3A_68 = arith.constant 1 : i32
    scf.for %scan3A_329 = %scan3A_65 to %scan3A_67 step %scan3A_68  : i32 {
      %mul3A_330 = arith.constant 5 : i32
      %mul3A_331 = arith.muli %scan3A_329, %mul3A_330 : i32
      %add3A_332 = arith.constant 0 : i32
      %add3A_333 = arith.addi %mul3A_331, %add3A_332 : i32
      %dma_wait3A_334 = arith.constant 0 : i32
      %dma_wait3A_335 = tpu.memref_slice %arg5[%add3A_333, %dma_wait3A_334] : memref<50x128xi32, #tpu.memory_space<vmem>> -> memref<1x128xi32, #tpu.memory_space<vmem>>
      %dma_wait3A_336 = tpu.memref_squeeze %dma_wait3A_335 : memref<1x128xi32, #tpu.memory_space<vmem>> -> memref<128xi32, #tpu.memory_space<vmem>>
      %dma_wait3A_337 = arith.constant 0 : i32
      %dma_wait3A_338 = arith.constant 0 : i32
      %dma_wait3A_339 = tpu.memref_slice %arg2[%dma_wait3A_337, %dma_wait3A_338] : memref<1000000x128xf32, #tpu.memory_space<hbm>> -> memref<1000000x128xf32, #tpu.memory_space<hbm>>
      tpu.wait_indirect_dma semaphore(%arg14 : memref<!tpu.dma_semaphore, #tpu.memory_space<semaphore_mem>>) src(%dma_wait3A_339 : memref<1000000x128xf32, #tpu.memory_space<hbm>>) dst(%arg7 : memref<128x128xf32, #tpu.memory_space<vmem>>)
      %add3A_340 = arith.constant 0 : i32
      %add3A_341 = arith.addi %mul3A_331, %add3A_340 : i32
      %add3A_342 = arith.constant 1 : i32
      %add3A_343 = arith.addi %add3A_341, %add3A_342 : i32
      %dma_start3A_344 = arith.constant 0 : i32
      %dma_start3A_345 = tpu.memref_slice %arg4[%add3A_343, %mul3A_2, %dma_start3A_344] : memref<52x4096x128xf32, #tpu.memory_space<hbm>> -> memref<1x128x128xf32, #tpu.memory_space<hbm>>
      %dma_start3A_346 = tpu.memref_squeeze %dma_start3A_345 : memref<1x128x128xf32, #tpu.memory_space<hbm>> -> memref<128x128xf32, #tpu.memory_space<hbm>>
      %dma_start3A_347 = arith.constant 0 : i32
      %dma_start3A_348 = tpu.memref_slice %arg4[%add3A_343, %mul3A_2, %dma_start3A_347] : memref<52x4096x128xf32, #tpu.memory_space<hbm>> -> memref<1x128x128xf32, #tpu.memory_space<hbm>>
      %dma_start3A_349 = tpu.memref_squeeze %dma_start3A_348 : memref<1x128x128xf32, #tpu.memory_space<hbm>> -> memref<128x128xf32, #tpu.memory_space<hbm>>
      tpu.enqueue_dma source(%arg7 : memref<128x128xf32, #tpu.memory_space<vmem>>) target(%dma_start3A_349 : memref<128x128xf32, #tpu.memory_space<hbm>>) target_semaphore(%arg19 : memref<!tpu.dma_semaphore, #tpu.memory_space<semaphore_mem>>)
      %add3A_350 = arith.constant 1 : i32
      %add3A_351 = arith.addi %mul3A_331, %add3A_350 : i32
      %dma_wait3A_352 = arith.constant 0 : i32
      %dma_wait3A_353 = tpu.memref_slice %arg5[%add3A_351, %dma_wait3A_352] : memref<50x128xi32, #tpu.memory_space<vmem>> -> memref<1x128xi32, #tpu.memory_space<vmem>>
      %dma_wait3A_354 = tpu.memref_squeeze %dma_wait3A_353 : memref<1x128xi32, #tpu.memory_space<vmem>> -> memref<128xi32, #tpu.memory_space<vmem>>
      %dma_wait3A_355 = arith.constant 0 : i32
      %dma_wait3A_356 = arith.constant 0 : i32
      %dma_wait3A_357 = tpu.memref_slice %arg2[%dma_wait3A_355, %dma_wait3A_356] : memref<1000000x128xf32, #tpu.memory_space<hbm>> -> memref<1000000x128xf32, #tpu.memory_space<hbm>>
      tpu.wait_indirect_dma semaphore(%arg15 : memref<!tpu.dma_semaphore, #tpu.memory_space<semaphore_mem>>) src(%dma_wait3A_357 : memref<1000000x128xf32, #tpu.memory_space<hbm>>) dst(%arg8 : memref<128x128xf32, #tpu.memory_space<vmem>>)
      %add3A_358 = arith.constant 1 : i32
      %add3A_359 = arith.addi %mul3A_331, %add3A_358 : i32
      %add3A_360 = arith.constant 1 : i32
      %add3A_361 = arith.addi %add3A_359, %add3A_360 : i32
      %dma_start3A_362 = arith.constant 0 : i32
      %dma_start3A_363 = tpu.memref_slice %arg4[%add3A_361, %mul3A_2, %dma_start3A_362] : memref<52x4096x128xf32, #tpu.memory_space<hbm>> -> memref<1x128x128xf32, #tpu.memory_space<hbm>>
      %dma_start3A_364 = tpu.memref_squeeze %dma_start3A_363 : memref<1x128x128xf32, #tpu.memory_space<hbm>> -> memref<128x128xf32, #tpu.memory_space<hbm>>
      %dma_start3A_365 = arith.constant 0 : i32
      %dma_start3A_366 = tpu.memref_slice %arg4[%add3A_361, %mul3A_2, %dma_start3A_365] : memref<52x4096x128xf32, #tpu.memory_space<hbm>> -> memref<1x128x128xf32, #tpu.memory_space<hbm>>
      %dma_start3A_367 = tpu.memref_squeeze %dma_start3A_366 : memref<1x128x128xf32, #tpu.memory_space<hbm>> -> memref<128x128xf32, #tpu.memory_space<hbm>>
      tpu.enqueue_dma source(%arg8 : memref<128x128xf32, #tpu.memory_space<vmem>>) target(%dma_start3A_367 : memref<128x128xf32, #tpu.memory_space<hbm>>) target_semaphore(%arg20 : memref<!tpu.dma_semaphore, #tpu.memory_space<semaphore_mem>>)
      %add3A_368 = arith.constant 2 : i32
      %add3A_369 = arith.addi %mul3A_331, %add3A_368 : i32
      %dma_wait3A_370 = arith.constant 0 : i32
      %dma_wait3A_371 = tpu.memref_slice %arg5[%add3A_369, %dma_wait3A_370] : memref<50x128xi32, #tpu.memory_space<vmem>> -> memref<1x128xi32, #tpu.memory_space<vmem>>
      %dma_wait3A_372 = tpu.memref_squeeze %dma_wait3A_371 : memref<1x128xi32, #tpu.memory_space<vmem>> -> memref<128xi32, #tpu.memory_space<vmem>>
      %dma_wait3A_373 = arith.constant 0 : i32
      %dma_wait3A_374 = arith.constant 0 : i32
      %dma_wait3A_375 = tpu.memref_slice %arg2[%dma_wait3A_373, %dma_wait3A_374] : memref<1000000x128xf32, #tpu.memory_space<hbm>> -> memref<1000000x128xf32, #tpu.memory_space<hbm>>
      tpu.wait_indirect_dma semaphore(%arg16 : memref<!tpu.dma_semaphore, #tpu.memory_space<semaphore_mem>>) src(%dma_wait3A_375 : memref<1000000x128xf32, #tpu.memory_space<hbm>>) dst(%arg9 : memref<128x128xf32, #tpu.memory_space<vmem>>)
      %add3A_376 = arith.constant 2 : i32
      %add3A_377 = arith.addi %mul3A_331, %add3A_376 : i32
      %add3A_378 = arith.constant 1 : i32
      %add3A_379 = arith.addi %add3A_377, %add3A_378 : i32
      %dma_start3A_380 = arith.constant 0 : i32
      %dma_start3A_381 = tpu.memref_slice %arg4[%add3A_379, %mul3A_2, %dma_start3A_380] : memref<52x4096x128xf32, #tpu.memory_space<hbm>> -> memref<1x128x128xf32, #tpu.memory_space<hbm>>
      %dma_start3A_382 = tpu.memref_squeeze %dma_start3A_381 : memref<1x128x128xf32, #tpu.memory_space<hbm>> -> memref<128x128xf32, #tpu.memory_space<hbm>>
      %dma_start3A_383 = arith.constant 0 : i32
      %dma_start3A_384 = tpu.memref_slice %arg4[%add3A_379, %mul3A_2, %dma_start3A_383] : memref<52x4096x128xf32, #tpu.memory_space<hbm>> -> memref<1x128x128xf32, #tpu.memory_space<hbm>>
      %dma_start3A_385 = tpu.memref_squeeze %dma_start3A_384 : memref<1x128x128xf32, #tpu.memory_space<hbm>> -> memref<128x128xf32, #tpu.memory_space<hbm>>
      tpu.enqueue_dma source(%arg9 : memref<128x128xf32, #tpu.memory_space<vmem>>) target(%dma_start3A_385 : memref<128x128xf32, #tpu.memory_space<hbm>>) target_semaphore(%arg21 : memref<!tpu.dma_semaphore, #tpu.memory_space<semaphore_mem>>)
      %add3A_386 = arith.constant 3 : i32
      %add3A_387 = arith.addi %mul3A_331, %add3A_386 : i32
      %dma_wait3A_388 = arith.constant 0 : i32
      %dma_wait3A_389 = tpu.memref_slice %arg5[%add3A_387, %dma_wait3A_388] : memref<50x128xi32, #tpu.memory_space<vmem>> -> memref<1x128xi32, #tpu.memory_space<vmem>>
      %dma_wait3A_390 = tpu.memref_squeeze %dma_wait3A_389 : memref<1x128xi32, #tpu.memory_space<vmem>> -> memref<128xi32, #tpu.memory_space<vmem>>
      %dma_wait3A_391 = arith.constant 0 : i32
      %dma_wait3A_392 = arith.constant 0 : i32
      %dma_wait3A_393 = tpu.memref_slice %arg2[%dma_wait3A_391, %dma_wait3A_392] : memref<1000000x128xf32, #tpu.memory_space<hbm>> -> memref<1000000x128xf32, #tpu.memory_space<hbm>>
      tpu.wait_indirect_dma semaphore(%arg17 : memref<!tpu.dma_semaphore, #tpu.memory_space<semaphore_mem>>) src(%dma_wait3A_393 : memref<1000000x128xf32, #tpu.memory_space<hbm>>) dst(%arg10 : memref<128x128xf32, #tpu.memory_space<vmem>>)
      %add3A_394 = arith.constant 3 : i32
      %add3A_395 = arith.addi %mul3A_331, %add3A_394 : i32
      %add3A_396 = arith.constant 1 : i32
      %add3A_397 = arith.addi %add3A_395, %add3A_396 : i32
      %dma_start3A_398 = arith.constant 0 : i32
      %dma_start3A_399 = tpu.memref_slice %arg4[%add3A_397, %mul3A_2, %dma_start3A_398] : memref<52x4096x128xf32, #tpu.memory_space<hbm>> -> memref<1x128x128xf32, #tpu.memory_space<hbm>>
      %dma_start3A_400 = tpu.memref_squeeze %dma_start3A_399 : memref<1x128x128xf32, #tpu.memory_space<hbm>> -> memref<128x128xf32, #tpu.memory_space<hbm>>
      %dma_start3A_401 = arith.constant 0 : i32
      %dma_start3A_402 = tpu.memref_slice %arg4[%add3A_397, %mul3A_2, %dma_start3A_401] : memref<52x4096x128xf32, #tpu.memory_space<hbm>> -> memref<1x128x128xf32, #tpu.memory_space<hbm>>
      %dma_start3A_403 = tpu.memref_squeeze %dma_start3A_402 : memref<1x128x128xf32, #tpu.memory_space<hbm>> -> memref<128x128xf32, #tpu.memory_space<hbm>>
      tpu.enqueue_dma source(%arg10 : memref<128x128xf32, #tpu.memory_space<vmem>>) target(%dma_start3A_403 : memref<128x128xf32, #tpu.memory_space<hbm>>) target_semaphore(%arg22 : memref<!tpu.dma_semaphore, #tpu.memory_space<semaphore_mem>>)
      %add3A_404 = arith.constant 4 : i32
      %add3A_405 = arith.addi %mul3A_331, %add3A_404 : i32
      %dma_wait3A_406 = arith.constant 0 : i32
      %dma_wait3A_407 = tpu.memref_slice %arg5[%add3A_405, %dma_wait3A_406] : memref<50x128xi32, #tpu.memory_space<vmem>> -> memref<1x128xi32, #tpu.memory_space<vmem>>
      %dma_wait3A_408 = tpu.memref_squeeze %dma_wait3A_407 : memref<1x128xi32, #tpu.memory_space<vmem>> -> memref<128xi32, #tpu.memory_space<vmem>>
      %dma_wait3A_409 = arith.constant 0 : i32
      %dma_wait3A_410 = arith.constant 0 : i32
      %dma_wait3A_411 = tpu.memref_slice %arg2[%dma_wait3A_409, %dma_wait3A_410] : memref<1000000x128xf32, #tpu.memory_space<hbm>> -> memref<1000000x128xf32, #tpu.memory_space<hbm>>
      tpu.wait_indirect_dma semaphore(%arg18 : memref<!tpu.dma_semaphore, #tpu.memory_space<semaphore_mem>>) src(%dma_wait3A_411 : memref<1000000x128xf32, #tpu.memory_space<hbm>>) dst(%arg11 : memref<128x128xf32, #tpu.memory_space<vmem>>)
      %add3A_412 = arith.constant 4 : i32
      %add3A_413 = arith.addi %mul3A_331, %add3A_412 : i32
      %add3A_414 = arith.constant 1 : i32
      %add3A_415 = arith.addi %add3A_413, %add3A_414 : i32
      %dma_start3A_416 = arith.constant 0 : i32
      %dma_start3A_417 = tpu.memref_slice %arg4[%add3A_415, %mul3A_2, %dma_start3A_416] : memref<52x4096x128xf32, #tpu.memory_space<hbm>> -> memref<1x128x128xf32, #tpu.memory_space<hbm>>
      %dma_start3A_418 = tpu.memref_squeeze %dma_start3A_417 : memref<1x128x128xf32, #tpu.memory_space<hbm>> -> memref<128x128xf32, #tpu.memory_space<hbm>>
      %dma_start3A_419 = arith.constant 0 : i32
      %dma_start3A_420 = tpu.memref_slice %arg4[%add3A_415, %mul3A_2, %dma_start3A_419] : memref<52x4096x128xf32, #tpu.memory_space<hbm>> -> memref<1x128x128xf32, #tpu.memory_space<hbm>>
      %dma_start3A_421 = tpu.memref_squeeze %dma_start3A_420 : memref<1x128x128xf32, #tpu.memory_space<hbm>> -> memref<128x128xf32, #tpu.memory_space<hbm>>
      tpu.enqueue_dma source(%arg11 : memref<128x128xf32, #tpu.memory_space<vmem>>) target(%dma_start3A_421 : memref<128x128xf32, #tpu.memory_space<hbm>>) target_semaphore(%arg23 : memref<!tpu.dma_semaphore, #tpu.memory_space<semaphore_mem>>)
      %add3A_422 = arith.constant 0 : i32
      %add3A_423 = arith.addi %mul3A_331, %add3A_422 : i32
      %add3A_424 = arith.constant 1 : i32
      %add3A_425 = arith.addi %add3A_423, %add3A_424 : i32
      %dma_wait3A_426 = arith.constant 0 : i32
      %dma_wait3A_427 = tpu.memref_slice %arg4[%add3A_425, %mul3A_2, %dma_wait3A_426] : memref<52x4096x128xf32, #tpu.memory_space<hbm>> -> memref<1x128x128xf32, #tpu.memory_space<hbm>>
      %dma_wait3A_428 = tpu.memref_squeeze %dma_wait3A_427 : memref<1x128x128xf32, #tpu.memory_space<hbm>> -> memref<128x128xf32, #tpu.memory_space<hbm>>
      %dma_wait3A_429 = arith.constant 0 : i32
      %dma_wait3A_430 = tpu.memref_slice %arg4[%add3A_425, %mul3A_2, %dma_wait3A_429] : memref<52x4096x128xf32, #tpu.memory_space<hbm>> -> memref<1x128x128xf32, #tpu.memory_space<hbm>>
      %dma_wait3A_431 = tpu.memref_squeeze %dma_wait3A_430 : memref<1x128x128xf32, #tpu.memory_space<hbm>> -> memref<128x128xf32, #tpu.memory_space<hbm>>
      tpu.wait_dma2 semaphore(%arg19 : memref<!tpu.dma_semaphore, #tpu.memory_space<semaphore_mem>>) src(%arg7 : memref<128x128xf32, #tpu.memory_space<vmem>>) dst(%dma_wait3A_431 : memref<128x128xf32, #tpu.memory_space<hbm>>)
      %add3A_432 = arith.constant 5 : i32
      %add3A_433 = arith.addi %mul3A_331, %add3A_432 : i32
      %add3A_434 = arith.constant 0 : i32
      %add3A_435 = arith.addi %add3A_433, %add3A_434 : i32
      %dma_start3A_436 = arith.constant 0 : i32
      %dma_start3A_437 = tpu.memref_slice %arg5[%add3A_435, %dma_start3A_436] : memref<50x128xi32, #tpu.memory_space<vmem>> -> memref<1x128xi32, #tpu.memory_space<vmem>>
      %dma_start3A_438 = tpu.memref_squeeze %dma_start3A_437 : memref<1x128xi32, #tpu.memory_space<vmem>> -> memref<128xi32, #tpu.memory_space<vmem>>
      %dma_start3A_439 = arith.constant 0 : i32
      %dma_start3A_440 = arith.constant 0 : i32
      %dma_start3A_441 = tpu.memref_slice %arg2[%dma_start3A_439, %dma_start3A_440] : memref<1000000x128xf32, #tpu.memory_space<hbm>> -> memref<1000000x128xf32, #tpu.memory_space<hbm>>
      tpu.enqueue_indirect_dma source(%dma_start3A_441 : memref<1000000x128xf32, #tpu.memory_space<hbm>>) target(%arg7 : memref<128x128xf32, #tpu.memory_space<vmem>>) offsets(%dma_start3A_438 : memref<128xi32, #tpu.memory_space<vmem>>) semaphore(%arg14 : memref<!tpu.dma_semaphore, #tpu.memory_space<semaphore_mem>>)
      %add3A_442 = arith.constant 1 : i32
      %add3A_443 = arith.addi %mul3A_331, %add3A_442 : i32
      %add3A_444 = arith.constant 1 : i32
      %add3A_445 = arith.addi %add3A_443, %add3A_444 : i32
      %dma_wait3A_446 = arith.constant 0 : i32
      %dma_wait3A_447 = tpu.memref_slice %arg4[%add3A_445, %mul3A_2, %dma_wait3A_446] : memref<52x4096x128xf32, #tpu.memory_space<hbm>> -> memref<1x128x128xf32, #tpu.memory_space<hbm>>
      %dma_wait3A_448 = tpu.memref_squeeze %dma_wait3A_447 : memref<1x128x128xf32, #tpu.memory_space<hbm>> -> memref<128x128xf32, #tpu.memory_space<hbm>>
      %dma_wait3A_449 = arith.constant 0 : i32
      %dma_wait3A_450 = tpu.memref_slice %arg4[%add3A_445, %mul3A_2, %dma_wait3A_449] : memref<52x4096x128xf32, #tpu.memory_space<hbm>> -> memref<1x128x128xf32, #tpu.memory_space<hbm>>
      %dma_wait3A_451 = tpu.memref_squeeze %dma_wait3A_450 : memref<1x128x128xf32, #tpu.memory_space<hbm>> -> memref<128x128xf32, #tpu.memory_space<hbm>>
      tpu.wait_dma2 semaphore(%arg20 : memref<!tpu.dma_semaphore, #tpu.memory_space<semaphore_mem>>) src(%arg8 : memref<128x128xf32, #tpu.memory_space<vmem>>) dst(%dma_wait3A_451 : memref<128x128xf32, #tpu.memory_space<hbm>>)
      %add3A_452 = arith.constant 5 : i32
      %add3A_453 = arith.addi %mul3A_331, %add3A_452 : i32
      %add3A_454 = arith.constant 1 : i32
      %add3A_455 = arith.addi %add3A_453, %add3A_454 : i32
      %dma_start3A_456 = arith.constant 0 : i32
      %dma_start3A_457 = tpu.memref_slice %arg5[%add3A_455, %dma_start3A_456] : memref<50x128xi32, #tpu.memory_space<vmem>> -> memref<1x128xi32, #tpu.memory_space<vmem>>
      %dma_start3A_458 = tpu.memref_squeeze %dma_start3A_457 : memref<1x128xi32, #tpu.memory_space<vmem>> -> memref<128xi32, #tpu.memory_space<vmem>>
      %dma_start3A_459 = arith.constant 0 : i32
      %dma_start3A_460 = arith.constant 0 : i32
      %dma_start3A_461 = tpu.memref_slice %arg2[%dma_start3A_459, %dma_start3A_460] : memref<1000000x128xf32, #tpu.memory_space<hbm>> -> memref<1000000x128xf32, #tpu.memory_space<hbm>>
      tpu.enqueue_indirect_dma source(%dma_start3A_461 : memref<1000000x128xf32, #tpu.memory_space<hbm>>) target(%arg8 : memref<128x128xf32, #tpu.memory_space<vmem>>) offsets(%dma_start3A_458 : memref<128xi32, #tpu.memory_space<vmem>>) semaphore(%arg15 : memref<!tpu.dma_semaphore, #tpu.memory_space<semaphore_mem>>)
      %add3A_462 = arith.constant 2 : i32
      %add3A_463 = arith.addi %mul3A_331, %add3A_462 : i32
      %add3A_464 = arith.constant 1 : i32
      %add3A_465 = arith.addi %add3A_463, %add3A_464 : i32
      %dma_wait3A_466 = arith.constant 0 : i32
      %dma_wait3A_467 = tpu.memref_slice %arg4[%add3A_465, %mul3A_2, %dma_wait3A_466] : memref<52x4096x128xf32, #tpu.memory_space<hbm>> -> memref<1x128x128xf32, #tpu.memory_space<hbm>>
      %dma_wait3A_468 = tpu.memref_squeeze %dma_wait3A_467 : memref<1x128x128xf32, #tpu.memory_space<hbm>> -> memref<128x128xf32, #tpu.memory_space<hbm>>
      %dma_wait3A_469 = arith.constant 0 : i32
      %dma_wait3A_470 = tpu.memref_slice %arg4[%add3A_465, %mul3A_2, %dma_wait3A_469] : memref<52x4096x128xf32, #tpu.memory_space<hbm>> -> memref<1x128x128xf32, #tpu.memory_space<hbm>>
      %dma_wait3A_471 = tpu.memref_squeeze %dma_wait3A_470 : memref<1x128x128xf32, #tpu.memory_space<hbm>> -> memref<128x128xf32, #tpu.memory_space<hbm>>
      tpu.wait_dma2 semaphore(%arg21 : memref<!tpu.dma_semaphore, #tpu.memory_space<semaphore_mem>>) src(%arg9 : memref<128x128xf32, #tpu.memory_space<vmem>>) dst(%dma_wait3A_471 : memref<128x128xf32, #tpu.memory_space<hbm>>)
      %add3A_472 = arith.constant 5 : i32
      %add3A_473 = arith.addi %mul3A_331, %add3A_472 : i32
      %add3A_474 = arith.constant 2 : i32
      %add3A_475 = arith.addi %add3A_473, %add3A_474 : i32
      %dma_start3A_476 = arith.constant 0 : i32
      %dma_start3A_477 = tpu.memref_slice %arg5[%add3A_475, %dma_start3A_476] : memref<50x128xi32, #tpu.memory_space<vmem>> -> memref<1x128xi32, #tpu.memory_space<vmem>>
      %dma_start3A_478 = tpu.memref_squeeze %dma_start3A_477 : memref<1x128xi32, #tpu.memory_space<vmem>> -> memref<128xi32, #tpu.memory_space<vmem>>
      %dma_start3A_479 = arith.constant 0 : i32
      %dma_start3A_480 = arith.constant 0 : i32
      %dma_start3A_481 = tpu.memref_slice %arg2[%dma_start3A_479, %dma_start3A_480] : memref<1000000x128xf32, #tpu.memory_space<hbm>> -> memref<1000000x128xf32, #tpu.memory_space<hbm>>
      tpu.enqueue_indirect_dma source(%dma_start3A_481 : memref<1000000x128xf32, #tpu.memory_space<hbm>>) target(%arg9 : memref<128x128xf32, #tpu.memory_space<vmem>>) offsets(%dma_start3A_478 : memref<128xi32, #tpu.memory_space<vmem>>) semaphore(%arg16 : memref<!tpu.dma_semaphore, #tpu.memory_space<semaphore_mem>>)
      %add3A_482 = arith.constant 3 : i32
      %add3A_483 = arith.addi %mul3A_331, %add3A_482 : i32
      %add3A_484 = arith.constant 1 : i32
      %add3A_485 = arith.addi %add3A_483, %add3A_484 : i32
      %dma_wait3A_486 = arith.constant 0 : i32
      %dma_wait3A_487 = tpu.memref_slice %arg4[%add3A_485, %mul3A_2, %dma_wait3A_486] : memref<52x4096x128xf32, #tpu.memory_space<hbm>> -> memref<1x128x128xf32, #tpu.memory_space<hbm>>
      %dma_wait3A_488 = tpu.memref_squeeze %dma_wait3A_487 : memref<1x128x128xf32, #tpu.memory_space<hbm>> -> memref<128x128xf32, #tpu.memory_space<hbm>>
      %dma_wait3A_489 = arith.constant 0 : i32
      %dma_wait3A_490 = tpu.memref_slice %arg4[%add3A_485, %mul3A_2, %dma_wait3A_489] : memref<52x4096x128xf32, #tpu.memory_space<hbm>> -> memref<1x128x128xf32, #tpu.memory_space<hbm>>
      %dma_wait3A_491 = tpu.memref_squeeze %dma_wait3A_490 : memref<1x128x128xf32, #tpu.memory_space<hbm>> -> memref<128x128xf32, #tpu.memory_space<hbm>>
      tpu.wait_dma2 semaphore(%arg22 : memref<!tpu.dma_semaphore, #tpu.memory_space<semaphore_mem>>) src(%arg10 : memref<128x128xf32, #tpu.memory_space<vmem>>) dst(%dma_wait3A_491 : memref<128x128xf32, #tpu.memory_space<hbm>>)
      %add3A_492 = arith.constant 5 : i32
      %add3A_493 = arith.addi %mul3A_331, %add3A_492 : i32
      %add3A_494 = arith.constant 3 : i32
      %add3A_495 = arith.addi %add3A_493, %add3A_494 : i32
      %dma_start3A_496 = arith.constant 0 : i32
      %dma_start3A_497 = tpu.memref_slice %arg5[%add3A_495, %dma_start3A_496] : memref<50x128xi32, #tpu.memory_space<vmem>> -> memref<1x128xi32, #tpu.memory_space<vmem>>
      %dma_start3A_498 = tpu.memref_squeeze %dma_start3A_497 : memref<1x128xi32, #tpu.memory_space<vmem>> -> memref<128xi32, #tpu.memory_space<vmem>>
      %dma_start3A_499 = arith.constant 0 : i32
      %dma_start3A_500 = arith.constant 0 : i32
      %dma_start3A_501 = tpu.memref_slice %arg2[%dma_start3A_499, %dma_start3A_500] : memref<1000000x128xf32, #tpu.memory_space<hbm>> -> memref<1000000x128xf32, #tpu.memory_space<hbm>>
      tpu.enqueue_indirect_dma source(%dma_start3A_501 : memref<1000000x128xf32, #tpu.memory_space<hbm>>) target(%arg10 : memref<128x128xf32, #tpu.memory_space<vmem>>) offsets(%dma_start3A_498 : memref<128xi32, #tpu.memory_space<vmem>>) semaphore(%arg17 : memref<!tpu.dma_semaphore, #tpu.memory_space<semaphore_mem>>)
      %add3A_502 = arith.constant 4 : i32
      %add3A_503 = arith.addi %mul3A_331, %add3A_502 : i32
      %add3A_504 = arith.constant 1 : i32
      %add3A_505 = arith.addi %add3A_503, %add3A_504 : i32
      %dma_wait3A_506 = arith.constant 0 : i32
      %dma_wait3A_507 = tpu.memref_slice %arg4[%add3A_505, %mul3A_2, %dma_wait3A_506] : memref<52x4096x128xf32, #tpu.memory_space<hbm>> -> memref<1x128x128xf32, #tpu.memory_space<hbm>>
      %dma_wait3A_508 = tpu.memref_squeeze %dma_wait3A_507 : memref<1x128x128xf32, #tpu.memory_space<hbm>> -> memref<128x128xf32, #tpu.memory_space<hbm>>
      %dma_wait3A_509 = arith.constant 0 : i32
      %dma_wait3A_510 = tpu.memref_slice %arg4[%add3A_505, %mul3A_2, %dma_wait3A_509] : memref<52x4096x128xf32, #tpu.memory_space<hbm>> -> memref<1x128x128xf32, #tpu.memory_space<hbm>>
      %dma_wait3A_511 = tpu.memref_squeeze %dma_wait3A_510 : memref<1x128x128xf32, #tpu.memory_space<hbm>> -> memref<128x128xf32, #tpu.memory_space<hbm>>
      tpu.wait_dma2 semaphore(%arg23 : memref<!tpu.dma_semaphore, #tpu.memory_space<semaphore_mem>>) src(%arg11 : memref<128x128xf32, #tpu.memory_space<vmem>>) dst(%dma_wait3A_511 : memref<128x128xf32, #tpu.memory_space<hbm>>)
      %add3A_512 = arith.constant 5 : i32
      %add3A_513 = arith.addi %mul3A_331, %add3A_512 : i32
      %add3A_514 = arith.constant 4 : i32
      %add3A_515 = arith.addi %add3A_513, %add3A_514 : i32
      %dma_start3A_516 = arith.constant 0 : i32
      %dma_start3A_517 = tpu.memref_slice %arg5[%add3A_515, %dma_start3A_516] : memref<50x128xi32, #tpu.memory_space<vmem>> -> memref<1x128xi32, #tpu.memory_space<vmem>>
      %dma_start3A_518 = tpu.memref_squeeze %dma_start3A_517 : memref<1x128xi32, #tpu.memory_space<vmem>> -> memref<128xi32, #tpu.memory_space<vmem>>
      %dma_start3A_519 = arith.constant 0 : i32
      %dma_start3A_520 = arith.constant 0 : i32
      %dma_start3A_521 = tpu.memref_slice %arg2[%dma_start3A_519, %dma_start3A_520] : memref<1000000x128xf32, #tpu.memory_space<hbm>> -> memref<1000000x128xf32, #tpu.memory_space<hbm>>
      tpu.enqueue_indirect_dma source(%dma_start3A_521 : memref<1000000x128xf32, #tpu.memory_space<hbm>>) target(%arg11 : memref<128x128xf32, #tpu.memory_space<vmem>>) offsets(%dma_start3A_518 : memref<128xi32, #tpu.memory_space<vmem>>) semaphore(%arg18 : memref<!tpu.dma_semaphore, #tpu.memory_space<semaphore_mem>>)
    }
    %scan3A_69 = arith.constant 8 : i32
    %dma_wait3A_70 = arith.constant 40 : i32
    %dma_wait3A_71 = arith.constant 0 : i32
    %dma_wait3A_72 = tpu.memref_slice %arg5[%dma_wait3A_70, %dma_wait3A_71] : memref<50x128xi32, #tpu.memory_space<vmem>> -> memref<1x128xi32, #tpu.memory_space<vmem>>
    %dma_wait3A_73 = tpu.memref_squeeze %dma_wait3A_72 : memref<1x128xi32, #tpu.memory_space<vmem>> -> memref<128xi32, #tpu.memory_space<vmem>>
    %dma_wait3A_74 = arith.constant 0 : i32
    %dma_wait3A_75 = arith.constant 0 : i32
    %dma_wait3A_76 = tpu.memref_slice %arg2[%dma_wait3A_74, %dma_wait3A_75] : memref<1000000x128xf32, #tpu.memory_space<hbm>> -> memref<1000000x128xf32, #tpu.memory_space<hbm>>
    tpu.wait_indirect_dma semaphore(%arg14 : memref<!tpu.dma_semaphore, #tpu.memory_space<semaphore_mem>>) src(%dma_wait3A_76 : memref<1000000x128xf32, #tpu.memory_space<hbm>>) dst(%arg7 : memref<128x128xf32, #tpu.memory_space<vmem>>)
    %dma_start3A_77 = arith.constant 41 : i32
    %dma_start3A_78 = arith.constant 0 : i32
    %dma_start3A_79 = tpu.memref_slice %arg4[%dma_start3A_77, %mul3A_2, %dma_start3A_78] : memref<52x4096x128xf32, #tpu.memory_space<hbm>> -> memref<1x128x128xf32, #tpu.memory_space<hbm>>
    %dma_start3A_80 = tpu.memref_squeeze %dma_start3A_79 : memref<1x128x128xf32, #tpu.memory_space<hbm>> -> memref<128x128xf32, #tpu.memory_space<hbm>>
    %dma_start3A_81 = arith.constant 0 : i32
    %dma_start3A_82 = tpu.memref_slice %arg4[%dma_start3A_77, %mul3A_2, %dma_start3A_81] : memref<52x4096x128xf32, #tpu.memory_space<hbm>> -> memref<1x128x128xf32, #tpu.memory_space<hbm>>
    %dma_start3A_83 = tpu.memref_squeeze %dma_start3A_82 : memref<1x128x128xf32, #tpu.memory_space<hbm>> -> memref<128x128xf32, #tpu.memory_space<hbm>>
    tpu.enqueue_dma source(%arg7 : memref<128x128xf32, #tpu.memory_space<vmem>>) target(%dma_start3A_83 : memref<128x128xf32, #tpu.memory_space<hbm>>) target_semaphore(%arg19 : memref<!tpu.dma_semaphore, #tpu.memory_space<semaphore_mem>>)
    %dma_wait3A_84 = arith.constant 41 : i32
    %dma_wait3A_85 = arith.constant 0 : i32
    %dma_wait3A_86 = tpu.memref_slice %arg5[%dma_wait3A_84, %dma_wait3A_85] : memref<50x128xi32, #tpu.memory_space<vmem>> -> memref<1x128xi32, #tpu.memory_space<vmem>>
    %dma_wait3A_87 = tpu.memref_squeeze %dma_wait3A_86 : memref<1x128xi32, #tpu.memory_space<vmem>> -> memref<128xi32, #tpu.memory_space<vmem>>
    %dma_wait3A_88 = arith.constant 0 : i32
    %dma_wait3A_89 = arith.constant 0 : i32
    %dma_wait3A_90 = tpu.memref_slice %arg2[%dma_wait3A_88, %dma_wait3A_89] : memref<1000000x128xf32, #tpu.memory_space<hbm>> -> memref<1000000x128xf32, #tpu.memory_space<hbm>>
    tpu.wait_indirect_dma semaphore(%arg15 : memref<!tpu.dma_semaphore, #tpu.memory_space<semaphore_mem>>) src(%dma_wait3A_90 : memref<1000000x128xf32, #tpu.memory_space<hbm>>) dst(%arg8 : memref<128x128xf32, #tpu.memory_space<vmem>>)
    %dma_start3A_91 = arith.constant 42 : i32
    %dma_start3A_92 = arith.constant 0 : i32
    %dma_start3A_93 = tpu.memref_slice %arg4[%dma_start3A_91, %mul3A_2, %dma_start3A_92] : memref<52x4096x128xf32, #tpu.memory_space<hbm>> -> memref<1x128x128xf32, #tpu.memory_space<hbm>>
    %dma_start3A_94 = tpu.memref_squeeze %dma_start3A_93 : memref<1x128x128xf32, #tpu.memory_space<hbm>> -> memref<128x128xf32, #tpu.memory_space<hbm>>
    %dma_start3A_95 = arith.constant 0 : i32
    %dma_start3A_96 = tpu.memref_slice %arg4[%dma_start3A_91, %mul3A_2, %dma_start3A_95] : memref<52x4096x128xf32, #tpu.memory_space<hbm>> -> memref<1x128x128xf32, #tpu.memory_space<hbm>>
    %dma_start3A_97 = tpu.memref_squeeze %dma_start3A_96 : memref<1x128x128xf32, #tpu.memory_space<hbm>> -> memref<128x128xf32, #tpu.memory_space<hbm>>
    tpu.enqueue_dma source(%arg8 : memref<128x128xf32, #tpu.memory_space<vmem>>) target(%dma_start3A_97 : memref<128x128xf32, #tpu.memory_space<hbm>>) target_semaphore(%arg20 : memref<!tpu.dma_semaphore, #tpu.memory_space<semaphore_mem>>)
    %dma_wait3A_98 = arith.constant 42 : i32
    %dma_wait3A_99 = arith.constant 0 : i32
    %dma_wait3A_100 = tpu.memref_slice %arg5[%dma_wait3A_98, %dma_wait3A_99] : memref<50x128xi32, #tpu.memory_space<vmem>> -> memref<1x128xi32, #tpu.memory_space<vmem>>
    %dma_wait3A_101 = tpu.memref_squeeze %dma_wait3A_100 : memref<1x128xi32, #tpu.memory_space<vmem>> -> memref<128xi32, #tpu.memory_space<vmem>>
    %dma_wait3A_102 = arith.constant 0 : i32
    %dma_wait3A_103 = arith.constant 0 : i32
    %dma_wait3A_104 = tpu.memref_slice %arg2[%dma_wait3A_102, %dma_wait3A_103] : memref<1000000x128xf32, #tpu.memory_space<hbm>> -> memref<1000000x128xf32, #tpu.memory_space<hbm>>
    tpu.wait_indirect_dma semaphore(%arg16 : memref<!tpu.dma_semaphore, #tpu.memory_space<semaphore_mem>>) src(%dma_wait3A_104 : memref<1000000x128xf32, #tpu.memory_space<hbm>>) dst(%arg9 : memref<128x128xf32, #tpu.memory_space<vmem>>)
    %dma_start3A_105 = arith.constant 43 : i32
    %dma_start3A_106 = arith.constant 0 : i32
    %dma_start3A_107 = tpu.memref_slice %arg4[%dma_start3A_105, %mul3A_2, %dma_start3A_106] : memref<52x4096x128xf32, #tpu.memory_space<hbm>> -> memref<1x128x128xf32, #tpu.memory_space<hbm>>
    %dma_start3A_108 = tpu.memref_squeeze %dma_start3A_107 : memref<1x128x128xf32, #tpu.memory_space<hbm>> -> memref<128x128xf32, #tpu.memory_space<hbm>>
    %dma_start3A_109 = arith.constant 0 : i32
    %dma_start3A_110 = tpu.memref_slice %arg4[%dma_start3A_105, %mul3A_2, %dma_start3A_109] : memref<52x4096x128xf32, #tpu.memory_space<hbm>> -> memref<1x128x128xf32, #tpu.memory_space<hbm>>
    %dma_start3A_111 = tpu.memref_squeeze %dma_start3A_110 : memref<1x128x128xf32, #tpu.memory_space<hbm>> -> memref<128x128xf32, #tpu.memory_space<hbm>>
    tpu.enqueue_dma source(%arg9 : memref<128x128xf32, #tpu.memory_space<vmem>>) target(%dma_start3A_111 : memref<128x128xf32, #tpu.memory_space<hbm>>) target_semaphore(%arg21 : memref<!tpu.dma_semaphore, #tpu.memory_space<semaphore_mem>>)
    %dma_wait3A_112 = arith.constant 43 : i32
    %dma_wait3A_113 = arith.constant 0 : i32
    %dma_wait3A_114 = tpu.memref_slice %arg5[%dma_wait3A_112, %dma_wait3A_113] : memref<50x128xi32, #tpu.memory_space<vmem>> -> memref<1x128xi32, #tpu.memory_space<vmem>>
    %dma_wait3A_115 = tpu.memref_squeeze %dma_wait3A_114 : memref<1x128xi32, #tpu.memory_space<vmem>> -> memref<128xi32, #tpu.memory_space<vmem>>
    %dma_wait3A_116 = arith.constant 0 : i32
    %dma_wait3A_117 = arith.constant 0 : i32
    %dma_wait3A_118 = tpu.memref_slice %arg2[%dma_wait3A_116, %dma_wait3A_117] : memref<1000000x128xf32, #tpu.memory_space<hbm>> -> memref<1000000x128xf32, #tpu.memory_space<hbm>>
    tpu.wait_indirect_dma semaphore(%arg17 : memref<!tpu.dma_semaphore, #tpu.memory_space<semaphore_mem>>) src(%dma_wait3A_118 : memref<1000000x128xf32, #tpu.memory_space<hbm>>) dst(%arg10 : memref<128x128xf32, #tpu.memory_space<vmem>>)
    %dma_start3A_119 = arith.constant 44 : i32
    %dma_start3A_120 = arith.constant 0 : i32
    %dma_start3A_121 = tpu.memref_slice %arg4[%dma_start3A_119, %mul3A_2, %dma_start3A_120] : memref<52x4096x128xf32, #tpu.memory_space<hbm>> -> memref<1x128x128xf32, #tpu.memory_space<hbm>>
    %dma_start3A_122 = tpu.memref_squeeze %dma_start3A_121 : memref<1x128x128xf32, #tpu.memory_space<hbm>> -> memref<128x128xf32, #tpu.memory_space<hbm>>
    %dma_start3A_123 = arith.constant 0 : i32
    %dma_start3A_124 = tpu.memref_slice %arg4[%dma_start3A_119, %mul3A_2, %dma_start3A_123] : memref<52x4096x128xf32, #tpu.memory_space<hbm>> -> memref<1x128x128xf32, #tpu.memory_space<hbm>>
    %dma_start3A_125 = tpu.memref_squeeze %dma_start3A_124 : memref<1x128x128xf32, #tpu.memory_space<hbm>> -> memref<128x128xf32, #tpu.memory_space<hbm>>
    tpu.enqueue_dma source(%arg10 : memref<128x128xf32, #tpu.memory_space<vmem>>) target(%dma_start3A_125 : memref<128x128xf32, #tpu.memory_space<hbm>>) target_semaphore(%arg22 : memref<!tpu.dma_semaphore, #tpu.memory_space<semaphore_mem>>)
    %dma_wait3A_126 = arith.constant 44 : i32
    %dma_wait3A_127 = arith.constant 0 : i32
    %dma_wait3A_128 = tpu.memref_slice %arg5[%dma_wait3A_126, %dma_wait3A_127] : memref<50x128xi32, #tpu.memory_space<vmem>> -> memref<1x128xi32, #tpu.memory_space<vmem>>
    %dma_wait3A_129 = tpu.memref_squeeze %dma_wait3A_128 : memref<1x128xi32, #tpu.memory_space<vmem>> -> memref<128xi32, #tpu.memory_space<vmem>>
    %dma_wait3A_130 = arith.constant 0 : i32
    %dma_wait3A_131 = arith.constant 0 : i32
    %dma_wait3A_132 = tpu.memref_slice %arg2[%dma_wait3A_130, %dma_wait3A_131] : memref<1000000x128xf32, #tpu.memory_space<hbm>> -> memref<1000000x128xf32, #tpu.memory_space<hbm>>
    tpu.wait_indirect_dma semaphore(%arg18 : memref<!tpu.dma_semaphore, #tpu.memory_space<semaphore_mem>>) src(%dma_wait3A_132 : memref<1000000x128xf32, #tpu.memory_space<hbm>>) dst(%arg11 : memref<128x128xf32, #tpu.memory_space<vmem>>)
    %dma_start3A_133 = arith.constant 45 : i32
    %dma_start3A_134 = arith.constant 0 : i32
    %dma_start3A_135 = tpu.memref_slice %arg4[%dma_start3A_133, %mul3A_2, %dma_start3A_134] : memref<52x4096x128xf32, #tpu.memory_space<hbm>> -> memref<1x128x128xf32, #tpu.memory_space<hbm>>
    %dma_start3A_136 = tpu.memref_squeeze %dma_start3A_135 : memref<1x128x128xf32, #tpu.memory_space<hbm>> -> memref<128x128xf32, #tpu.memory_space<hbm>>
    %dma_start3A_137 = arith.constant 0 : i32
    %dma_start3A_138 = tpu.memref_slice %arg4[%dma_start3A_133, %mul3A_2, %dma_start3A_137] : memref<52x4096x128xf32, #tpu.memory_space<hbm>> -> memref<1x128x128xf32, #tpu.memory_space<hbm>>
    %dma_start3A_139 = tpu.memref_squeeze %dma_start3A_138 : memref<1x128x128xf32, #tpu.memory_space<hbm>> -> memref<128x128xf32, #tpu.memory_space<hbm>>
    tpu.enqueue_dma source(%arg11 : memref<128x128xf32, #tpu.memory_space<vmem>>) target(%dma_start3A_139 : memref<128x128xf32, #tpu.memory_space<hbm>>) target_semaphore(%arg23 : memref<!tpu.dma_semaphore, #tpu.memory_space<semaphore_mem>>)
    %dma_wait3A_140 = arith.constant 41 : i32
    %dma_wait3A_141 = arith.constant 0 : i32
    %dma_wait3A_142 = tpu.memref_slice %arg4[%dma_wait3A_140, %mul3A_2, %dma_wait3A_141] : memref<52x4096x128xf32, #tpu.memory_space<hbm>> -> memref<1x128x128xf32, #tpu.memory_space<hbm>>
    %dma_wait3A_143 = tpu.memref_squeeze %dma_wait3A_142 : memref<1x128x128xf32, #tpu.memory_space<hbm>> -> memref<128x128xf32, #tpu.memory_space<hbm>>
    %dma_wait3A_144 = arith.constant 0 : i32
    %dma_wait3A_145 = tpu.memref_slice %arg4[%dma_wait3A_140, %mul3A_2, %dma_wait3A_144] : memref<52x4096x128xf32, #tpu.memory_space<hbm>> -> memref<1x128x128xf32, #tpu.memory_space<hbm>>
    %dma_wait3A_146 = tpu.memref_squeeze %dma_wait3A_145 : memref<1x128x128xf32, #tpu.memory_space<hbm>> -> memref<128x128xf32, #tpu.memory_space<hbm>>
    tpu.wait_dma2 semaphore(%arg19 : memref<!tpu.dma_semaphore, #tpu.memory_space<semaphore_mem>>) src(%arg7 : memref<128x128xf32, #tpu.memory_space<vmem>>) dst(%dma_wait3A_146 : memref<128x128xf32, #tpu.memory_space<hbm>>)
    %dma_start3A_147 = arith.constant 45 : i32
    %dma_start3A_148 = arith.constant 0 : i32
    %dma_start3A_149 = tpu.memref_slice %arg5[%dma_start3A_147, %dma_start3A_148] : memref<50x128xi32, #tpu.memory_space<vmem>> -> memref<1x128xi32, #tpu.memory_space<vmem>>
    %dma_start3A_150 = tpu.memref_squeeze %dma_start3A_149 : memref<1x128xi32, #tpu.memory_space<vmem>> -> memref<128xi32, #tpu.memory_space<vmem>>
    %dma_start3A_151 = arith.constant 0 : i32
    %dma_start3A_152 = arith.constant 0 : i32
    %dma_start3A_153 = tpu.memref_slice %arg2[%dma_start3A_151, %dma_start3A_152] : memref<1000000x128xf32, #tpu.memory_space<hbm>> -> memref<1000000x128xf32, #tpu.memory_space<hbm>>
    tpu.enqueue_indirect_dma source(%dma_start3A_153 : memref<1000000x128xf32, #tpu.memory_space<hbm>>) target(%arg7 : memref<128x128xf32, #tpu.memory_space<vmem>>) offsets(%dma_start3A_150 : memref<128xi32, #tpu.memory_space<vmem>>) semaphore(%arg14 : memref<!tpu.dma_semaphore, #tpu.memory_space<semaphore_mem>>)
    %dma_wait3A_154 = arith.constant 42 : i32
    %dma_wait3A_155 = arith.constant 0 : i32
    %dma_wait3A_156 = tpu.memref_slice %arg4[%dma_wait3A_154, %mul3A_2, %dma_wait3A_155] : memref<52x4096x128xf32, #tpu.memory_space<hbm>> -> memref<1x128x128xf32, #tpu.memory_space<hbm>>
    %dma_wait3A_157 = tpu.memref_squeeze %dma_wait3A_156 : memref<1x128x128xf32, #tpu.memory_space<hbm>> -> memref<128x128xf32, #tpu.memory_space<hbm>>
    %dma_wait3A_158 = arith.constant 0 : i32
    %dma_wait3A_159 = tpu.memref_slice %arg4[%dma_wait3A_154, %mul3A_2, %dma_wait3A_158] : memref<52x4096x128xf32, #tpu.memory_space<hbm>> -> memref<1x128x128xf32, #tpu.memory_space<hbm>>
    %dma_wait3A_160 = tpu.memref_squeeze %dma_wait3A_159 : memref<1x128x128xf32, #tpu.memory_space<hbm>> -> memref<128x128xf32, #tpu.memory_space<hbm>>
    tpu.wait_dma2 semaphore(%arg20 : memref<!tpu.dma_semaphore, #tpu.memory_space<semaphore_mem>>) src(%arg8 : memref<128x128xf32, #tpu.memory_space<vmem>>) dst(%dma_wait3A_160 : memref<128x128xf32, #tpu.memory_space<hbm>>)
    %dma_start3A_161 = arith.constant 46 : i32
    %dma_start3A_162 = arith.constant 0 : i32
    %dma_start3A_163 = tpu.memref_slice %arg5[%dma_start3A_161, %dma_start3A_162] : memref<50x128xi32, #tpu.memory_space<vmem>> -> memref<1x128xi32, #tpu.memory_space<vmem>>
    %dma_start3A_164 = tpu.memref_squeeze %dma_start3A_163 : memref<1x128xi32, #tpu.memory_space<vmem>> -> memref<128xi32, #tpu.memory_space<vmem>>
    %dma_start3A_165 = arith.constant 0 : i32
    %dma_start3A_166 = arith.constant 0 : i32
    %dma_start3A_167 = tpu.memref_slice %arg2[%dma_start3A_165, %dma_start3A_166] : memref<1000000x128xf32, #tpu.memory_space<hbm>> -> memref<1000000x128xf32, #tpu.memory_space<hbm>>
    tpu.enqueue_indirect_dma source(%dma_start3A_167 : memref<1000000x128xf32, #tpu.memory_space<hbm>>) target(%arg8 : memref<128x128xf32, #tpu.memory_space<vmem>>) offsets(%dma_start3A_164 : memref<128xi32, #tpu.memory_space<vmem>>) semaphore(%arg15 : memref<!tpu.dma_semaphore, #tpu.memory_space<semaphore_mem>>)
    %dma_wait3A_168 = arith.constant 43 : i32
    %dma_wait3A_169 = arith.constant 0 : i32
    %dma_wait3A_170 = tpu.memref_slice %arg4[%dma_wait3A_168, %mul3A_2, %dma_wait3A_169] : memref<52x4096x128xf32, #tpu.memory_space<hbm>> -> memref<1x128x128xf32, #tpu.memory_space<hbm>>
    %dma_wait3A_171 = tpu.memref_squeeze %dma_wait3A_170 : memref<1x128x128xf32, #tpu.memory_space<hbm>> -> memref<128x128xf32, #tpu.memory_space<hbm>>
    %dma_wait3A_172 = arith.constant 0 : i32
    %dma_wait3A_173 = tpu.memref_slice %arg4[%dma_wait3A_168, %mul3A_2, %dma_wait3A_172] : memref<52x4096x128xf32, #tpu.memory_space<hbm>> -> memref<1x128x128xf32, #tpu.memory_space<hbm>>
    %dma_wait3A_174 = tpu.memref_squeeze %dma_wait3A_173 : memref<1x128x128xf32, #tpu.memory_space<hbm>> -> memref<128x128xf32, #tpu.memory_space<hbm>>
    tpu.wait_dma2 semaphore(%arg21 : memref<!tpu.dma_semaphore, #tpu.memory_space<semaphore_mem>>) src(%arg9 : memref<128x128xf32, #tpu.memory_space<vmem>>) dst(%dma_wait3A_174 : memref<128x128xf32, #tpu.memory_space<hbm>>)
    %dma_start3A_175 = arith.constant 47 : i32
    %dma_start3A_176 = arith.constant 0 : i32
    %dma_start3A_177 = tpu.memref_slice %arg5[%dma_start3A_175, %dma_start3A_176] : memref<50x128xi32, #tpu.memory_space<vmem>> -> memref<1x128xi32, #tpu.memory_space<vmem>>
    %dma_start3A_178 = tpu.memref_squeeze %dma_start3A_177 : memref<1x128xi32, #tpu.memory_space<vmem>> -> memref<128xi32, #tpu.memory_space<vmem>>
    %dma_start3A_179 = arith.constant 0 : i32
    %dma_start3A_180 = arith.constant 0 : i32
    %dma_start3A_181 = tpu.memref_slice %arg2[%dma_start3A_179, %dma_start3A_180] : memref<1000000x128xf32, #tpu.memory_space<hbm>> -> memref<1000000x128xf32, #tpu.memory_space<hbm>>
    tpu.enqueue_indirect_dma source(%dma_start3A_181 : memref<1000000x128xf32, #tpu.memory_space<hbm>>) target(%arg9 : memref<128x128xf32, #tpu.memory_space<vmem>>) offsets(%dma_start3A_178 : memref<128xi32, #tpu.memory_space<vmem>>) semaphore(%arg16 : memref<!tpu.dma_semaphore, #tpu.memory_space<semaphore_mem>>)
    %dma_wait3A_182 = arith.constant 44 : i32
    %dma_wait3A_183 = arith.constant 0 : i32
    %dma_wait3A_184 = tpu.memref_slice %arg4[%dma_wait3A_182, %mul3A_2, %dma_wait3A_183] : memref<52x4096x128xf32, #tpu.memory_space<hbm>> -> memref<1x128x128xf32, #tpu.memory_space<hbm>>
    %dma_wait3A_185 = tpu.memref_squeeze %dma_wait3A_184 : memref<1x128x128xf32, #tpu.memory_space<hbm>> -> memref<128x128xf32, #tpu.memory_space<hbm>>
    %dma_wait3A_186 = arith.constant 0 : i32
    %dma_wait3A_187 = tpu.memref_slice %arg4[%dma_wait3A_182, %mul3A_2, %dma_wait3A_186] : memref<52x4096x128xf32, #tpu.memory_space<hbm>> -> memref<1x128x128xf32, #tpu.memory_space<hbm>>
    %dma_wait3A_188 = tpu.memref_squeeze %dma_wait3A_187 : memref<1x128x128xf32, #tpu.memory_space<hbm>> -> memref<128x128xf32, #tpu.memory_space<hbm>>
    tpu.wait_dma2 semaphore(%arg22 : memref<!tpu.dma_semaphore, #tpu.memory_space<semaphore_mem>>) src(%arg10 : memref<128x128xf32, #tpu.memory_space<vmem>>) dst(%dma_wait3A_188 : memref<128x128xf32, #tpu.memory_space<hbm>>)
    %dma_start3A_189 = arith.constant 48 : i32
    %dma_start3A_190 = arith.constant 0 : i32
    %dma_start3A_191 = tpu.memref_slice %arg5[%dma_start3A_189, %dma_start3A_190] : memref<50x128xi32, #tpu.memory_space<vmem>> -> memref<1x128xi32, #tpu.memory_space<vmem>>
    %dma_start3A_192 = tpu.memref_squeeze %dma_start3A_191 : memref<1x128xi32, #tpu.memory_space<vmem>> -> memref<128xi32, #tpu.memory_space<vmem>>
    %dma_start3A_193 = arith.constant 0 : i32
    %dma_start3A_194 = arith.constant 0 : i32
    %dma_start3A_195 = tpu.memref_slice %arg2[%dma_start3A_193, %dma_start3A_194] : memref<1000000x128xf32, #tpu.memory_space<hbm>> -> memref<1000000x128xf32, #tpu.memory_space<hbm>>
    tpu.enqueue_indirect_dma source(%dma_start3A_195 : memref<1000000x128xf32, #tpu.memory_space<hbm>>) target(%arg10 : memref<128x128xf32, #tpu.memory_space<vmem>>) offsets(%dma_start3A_192 : memref<128xi32, #tpu.memory_space<vmem>>) semaphore(%arg17 : memref<!tpu.dma_semaphore, #tpu.memory_space<semaphore_mem>>)
    %dma_wait3A_196 = arith.constant 45 : i32
    %dma_wait3A_197 = arith.constant 0 : i32
    %dma_wait3A_198 = tpu.memref_slice %arg4[%dma_wait3A_196, %mul3A_2, %dma_wait3A_197] : memref<52x4096x128xf32, #tpu.memory_space<hbm>> -> memref<1x128x128xf32, #tpu.memory_space<hbm>>
    %dma_wait3A_199 = tpu.memref_squeeze %dma_wait3A_198 : memref<1x128x128xf32, #tpu.memory_space<hbm>> -> memref<128x128xf32, #tpu.memory_space<hbm>>
    %dma_wait3A_200 = arith.constant 0 : i32
    %dma_wait3A_201 = tpu.memref_slice %arg4[%dma_wait3A_196, %mul3A_2, %dma_wait3A_200] : memref<52x4096x128xf32, #tpu.memory_space<hbm>> -> memref<1x128x128xf32, #tpu.memory_space<hbm>>
    %dma_wait3A_202 = tpu.memref_squeeze %dma_wait3A_201 : memref<1x128x128xf32, #tpu.memory_space<hbm>> -> memref<128x128xf32, #tpu.memory_space<hbm>>
    tpu.wait_dma2 semaphore(%arg23 : memref<!tpu.dma_semaphore, #tpu.memory_space<semaphore_mem>>) src(%arg11 : memref<128x128xf32, #tpu.memory_space<vmem>>) dst(%dma_wait3A_202 : memref<128x128xf32, #tpu.memory_space<hbm>>)
    %dma_start3A_203 = arith.constant 49 : i32
    %dma_start3A_204 = arith.constant 0 : i32
    %dma_start3A_205 = tpu.memref_slice %arg5[%dma_start3A_203, %dma_start3A_204] : memref<50x128xi32, #tpu.memory_space<vmem>> -> memref<1x128xi32, #tpu.memory_space<vmem>>
    %dma_start3A_206 = tpu.memref_squeeze %dma_start3A_205 : memref<1x128xi32, #tpu.memory_space<vmem>> -> memref<128xi32, #tpu.memory_space<vmem>>
    %dma_start3A_207 = arith.constant 0 : i32
    %dma_start3A_208 = arith.constant 0 : i32
    %dma_start3A_209 = tpu.memref_slice %arg2[%dma_start3A_207, %dma_start3A_208] : memref<1000000x128xf32, #tpu.memory_space<hbm>> -> memref<1000000x128xf32, #tpu.memory_space<hbm>>
    tpu.enqueue_indirect_dma source(%dma_start3A_209 : memref<1000000x128xf32, #tpu.memory_space<hbm>>) target(%arg11 : memref<128x128xf32, #tpu.memory_space<vmem>>) offsets(%dma_start3A_206 : memref<128xi32, #tpu.memory_space<vmem>>) semaphore(%arg18 : memref<!tpu.dma_semaphore, #tpu.memory_space<semaphore_mem>>)
    %dma_wait3A_210 = arith.constant 45 : i32
    %dma_wait3A_211 = arith.constant 0 : i32
    %dma_wait3A_212 = tpu.memref_slice %arg5[%dma_wait3A_210, %dma_wait3A_211] : memref<50x128xi32, #tpu.memory_space<vmem>> -> memref<1x128xi32, #tpu.memory_space<vmem>>
    %dma_wait3A_213 = tpu.memref_squeeze %dma_wait3A_212 : memref<1x128xi32, #tpu.memory_space<vmem>> -> memref<128xi32, #tpu.memory_space<vmem>>
    %dma_wait3A_214 = arith.constant 0 : i32
    %dma_wait3A_215 = arith.constant 0 : i32
    %dma_wait3A_216 = tpu.memref_slice %arg2[%dma_wait3A_214, %dma_wait3A_215] : memref<1000000x128xf32, #tpu.memory_space<hbm>> -> memref<1000000x128xf32, #tpu.memory_space<hbm>>
    tpu.wait_indirect_dma semaphore(%arg14 : memref<!tpu.dma_semaphore, #tpu.memory_space<semaphore_mem>>) src(%dma_wait3A_216 : memref<1000000x128xf32, #tpu.memory_space<hbm>>) dst(%arg7 : memref<128x128xf32, #tpu.memory_space<vmem>>)
    %dma_start3A_217 = arith.constant 46 : i32
    %dma_start3A_218 = arith.constant 0 : i32
    %dma_start3A_219 = tpu.memref_slice %arg4[%dma_start3A_217, %mul3A_2, %dma_start3A_218] : memref<52x4096x128xf32, #tpu.memory_space<hbm>> -> memref<1x128x128xf32, #tpu.memory_space<hbm>>
    %dma_start3A_220 = tpu.memref_squeeze %dma_start3A_219 : memref<1x128x128xf32, #tpu.memory_space<hbm>> -> memref<128x128xf32, #tpu.memory_space<hbm>>
    %dma_start3A_221 = arith.constant 0 : i32
    %dma_start3A_222 = tpu.memref_slice %arg4[%dma_start3A_217, %mul3A_2, %dma_start3A_221] : memref<52x4096x128xf32, #tpu.memory_space<hbm>> -> memref<1x128x128xf32, #tpu.memory_space<hbm>>
    %dma_start3A_223 = tpu.memref_squeeze %dma_start3A_222 : memref<1x128x128xf32, #tpu.memory_space<hbm>> -> memref<128x128xf32, #tpu.memory_space<hbm>>
    tpu.enqueue_dma source(%arg7 : memref<128x128xf32, #tpu.memory_space<vmem>>) target(%dma_start3A_223 : memref<128x128xf32, #tpu.memory_space<hbm>>) target_semaphore(%arg19 : memref<!tpu.dma_semaphore, #tpu.memory_space<semaphore_mem>>)
    %dma_wait3A_224 = arith.constant 46 : i32
    %dma_wait3A_225 = arith.constant 0 : i32
    %dma_wait3A_226 = tpu.memref_slice %arg5[%dma_wait3A_224, %dma_wait3A_225] : memref<50x128xi32, #tpu.memory_space<vmem>> -> memref<1x128xi32, #tpu.memory_space<vmem>>
    %dma_wait3A_227 = tpu.memref_squeeze %dma_wait3A_226 : memref<1x128xi32, #tpu.memory_space<vmem>> -> memref<128xi32, #tpu.memory_space<vmem>>
    %dma_wait3A_228 = arith.constant 0 : i32
    %dma_wait3A_229 = arith.constant 0 : i32
    %dma_wait3A_230 = tpu.memref_slice %arg2[%dma_wait3A_228, %dma_wait3A_229] : memref<1000000x128xf32, #tpu.memory_space<hbm>> -> memref<1000000x128xf32, #tpu.memory_space<hbm>>
    tpu.wait_indirect_dma semaphore(%arg15 : memref<!tpu.dma_semaphore, #tpu.memory_space<semaphore_mem>>) src(%dma_wait3A_230 : memref<1000000x128xf32, #tpu.memory_space<hbm>>) dst(%arg8 : memref<128x128xf32, #tpu.memory_space<vmem>>)
    %dma_start3A_231 = arith.constant 47 : i32
    %dma_start3A_232 = arith.constant 0 : i32
    %dma_start3A_233 = tpu.memref_slice %arg4[%dma_start3A_231, %mul3A_2, %dma_start3A_232] : memref<52x4096x128xf32, #tpu.memory_space<hbm>> -> memref<1x128x128xf32, #tpu.memory_space<hbm>>
    %dma_start3A_234 = tpu.memref_squeeze %dma_start3A_233 : memref<1x128x128xf32, #tpu.memory_space<hbm>> -> memref<128x128xf32, #tpu.memory_space<hbm>>
    %dma_start3A_235 = arith.constant 0 : i32
    %dma_start3A_236 = tpu.memref_slice %arg4[%dma_start3A_231, %mul3A_2, %dma_start3A_235] : memref<52x4096x128xf32, #tpu.memory_space<hbm>> -> memref<1x128x128xf32, #tpu.memory_space<hbm>>
    %dma_start3A_237 = tpu.memref_squeeze %dma_start3A_236 : memref<1x128x128xf32, #tpu.memory_space<hbm>> -> memref<128x128xf32, #tpu.memory_space<hbm>>
    tpu.enqueue_dma source(%arg8 : memref<128x128xf32, #tpu.memory_space<vmem>>) target(%dma_start3A_237 : memref<128x128xf32, #tpu.memory_space<hbm>>) target_semaphore(%arg20 : memref<!tpu.dma_semaphore, #tpu.memory_space<semaphore_mem>>)
    %dma_wait3A_238 = arith.constant 47 : i32
    %dma_wait3A_239 = arith.constant 0 : i32
    %dma_wait3A_240 = tpu.memref_slice %arg5[%dma_wait3A_238, %dma_wait3A_239] : memref<50x128xi32, #tpu.memory_space<vmem>> -> memref<1x128xi32, #tpu.memory_space<vmem>>
    %dma_wait3A_241 = tpu.memref_squeeze %dma_wait3A_240 : memref<1x128xi32, #tpu.memory_space<vmem>> -> memref<128xi32, #tpu.memory_space<vmem>>
    %dma_wait3A_242 = arith.constant 0 : i32
    %dma_wait3A_243 = arith.constant 0 : i32
    %dma_wait3A_244 = tpu.memref_slice %arg2[%dma_wait3A_242, %dma_wait3A_243] : memref<1000000x128xf32, #tpu.memory_space<hbm>> -> memref<1000000x128xf32, #tpu.memory_space<hbm>>
    tpu.wait_indirect_dma semaphore(%arg16 : memref<!tpu.dma_semaphore, #tpu.memory_space<semaphore_mem>>) src(%dma_wait3A_244 : memref<1000000x128xf32, #tpu.memory_space<hbm>>) dst(%arg9 : memref<128x128xf32, #tpu.memory_space<vmem>>)
    %dma_start3A_245 = arith.constant 48 : i32
    %dma_start3A_246 = arith.constant 0 : i32
    %dma_start3A_247 = tpu.memref_slice %arg4[%dma_start3A_245, %mul3A_2, %dma_start3A_246] : memref<52x4096x128xf32, #tpu.memory_space<hbm>> -> memref<1x128x128xf32, #tpu.memory_space<hbm>>
    %dma_start3A_248 = tpu.memref_squeeze %dma_start3A_247 : memref<1x128x128xf32, #tpu.memory_space<hbm>> -> memref<128x128xf32, #tpu.memory_space<hbm>>
    %dma_start3A_249 = arith.constant 0 : i32
    %dma_start3A_250 = tpu.memref_slice %arg4[%dma_start3A_245, %mul3A_2, %dma_start3A_249] : memref<52x4096x128xf32, #tpu.memory_space<hbm>> -> memref<1x128x128xf32, #tpu.memory_space<hbm>>
    %dma_start3A_251 = tpu.memref_squeeze %dma_start3A_250 : memref<1x128x128xf32, #tpu.memory_space<hbm>> -> memref<128x128xf32, #tpu.memory_space<hbm>>
    tpu.enqueue_dma source(%arg9 : memref<128x128xf32, #tpu.memory_space<vmem>>) target(%dma_start3A_251 : memref<128x128xf32, #tpu.memory_space<hbm>>) target_semaphore(%arg21 : memref<!tpu.dma_semaphore, #tpu.memory_space<semaphore_mem>>)
    %dma_wait3A_252 = arith.constant 48 : i32
    %dma_wait3A_253 = arith.constant 0 : i32
    %dma_wait3A_254 = tpu.memref_slice %arg5[%dma_wait3A_252, %dma_wait3A_253] : memref<50x128xi32, #tpu.memory_space<vmem>> -> memref<1x128xi32, #tpu.memory_space<vmem>>
    %dma_wait3A_255 = tpu.memref_squeeze %dma_wait3A_254 : memref<1x128xi32, #tpu.memory_space<vmem>> -> memref<128xi32, #tpu.memory_space<vmem>>
    %dma_wait3A_256 = arith.constant 0 : i32
    %dma_wait3A_257 = arith.constant 0 : i32
    %dma_wait3A_258 = tpu.memref_slice %arg2[%dma_wait3A_256, %dma_wait3A_257] : memref<1000000x128xf32, #tpu.memory_space<hbm>> -> memref<1000000x128xf32, #tpu.memory_space<hbm>>
    tpu.wait_indirect_dma semaphore(%arg17 : memref<!tpu.dma_semaphore, #tpu.memory_space<semaphore_mem>>) src(%dma_wait3A_258 : memref<1000000x128xf32, #tpu.memory_space<hbm>>) dst(%arg10 : memref<128x128xf32, #tpu.memory_space<vmem>>)
    %dma_start3A_259 = arith.constant 49 : i32
    %dma_start3A_260 = arith.constant 0 : i32
    %dma_start3A_261 = tpu.memref_slice %arg4[%dma_start3A_259, %mul3A_2, %dma_start3A_260] : memref<52x4096x128xf32, #tpu.memory_space<hbm>> -> memref<1x128x128xf32, #tpu.memory_space<hbm>>
    %dma_start3A_262 = tpu.memref_squeeze %dma_start3A_261 : memref<1x128x128xf32, #tpu.memory_space<hbm>> -> memref<128x128xf32, #tpu.memory_space<hbm>>
    %dma_start3A_263 = arith.constant 0 : i32
    %dma_start3A_264 = tpu.memref_slice %arg4[%dma_start3A_259, %mul3A_2, %dma_start3A_263] : memref<52x4096x128xf32, #tpu.memory_space<hbm>> -> memref<1x128x128xf32, #tpu.memory_space<hbm>>
    %dma_start3A_265 = tpu.memref_squeeze %dma_start3A_264 : memref<1x128x128xf32, #tpu.memory_space<hbm>> -> memref<128x128xf32, #tpu.memory_space<hbm>>
    tpu.enqueue_dma source(%arg10 : memref<128x128xf32, #tpu.memory_space<vmem>>) target(%dma_start3A_265 : memref<128x128xf32, #tpu.memory_space<hbm>>) target_semaphore(%arg22 : memref<!tpu.dma_semaphore, #tpu.memory_space<semaphore_mem>>)
    %dma_wait3A_266 = arith.constant 49 : i32
    %dma_wait3A_267 = arith.constant 0 : i32
    %dma_wait3A_268 = tpu.memref_slice %arg5[%dma_wait3A_266, %dma_wait3A_267] : memref<50x128xi32, #tpu.memory_space<vmem>> -> memref<1x128xi32, #tpu.memory_space<vmem>>
    %dma_wait3A_269 = tpu.memref_squeeze %dma_wait3A_268 : memref<1x128xi32, #tpu.memory_space<vmem>> -> memref<128xi32, #tpu.memory_space<vmem>>
    %dma_wait3A_270 = arith.constant 0 : i32
    %dma_wait3A_271 = arith.constant 0 : i32
    %dma_wait3A_272 = tpu.memref_slice %arg2[%dma_wait3A_270, %dma_wait3A_271] : memref<1000000x128xf32, #tpu.memory_space<hbm>> -> memref<1000000x128xf32, #tpu.memory_space<hbm>>
    tpu.wait_indirect_dma semaphore(%arg18 : memref<!tpu.dma_semaphore, #tpu.memory_space<semaphore_mem>>) src(%dma_wait3A_272 : memref<1000000x128xf32, #tpu.memory_space<hbm>>) dst(%arg11 : memref<128x128xf32, #tpu.memory_space<vmem>>)
    %dma_start3A_273 = arith.constant 50 : i32
    %dma_start3A_274 = arith.constant 0 : i32
    %dma_start3A_275 = tpu.memref_slice %arg4[%dma_start3A_273, %mul3A_2, %dma_start3A_274] : memref<52x4096x128xf32, #tpu.memory_space<hbm>> -> memref<1x128x128xf32, #tpu.memory_space<hbm>>
    %dma_start3A_276 = tpu.memref_squeeze %dma_start3A_275 : memref<1x128x128xf32, #tpu.memory_space<hbm>> -> memref<128x128xf32, #tpu.memory_space<hbm>>
    %dma_start3A_277 = arith.constant 0 : i32
    %dma_start3A_278 = tpu.memref_slice %arg4[%dma_start3A_273, %mul3A_2, %dma_start3A_277] : memref<52x4096x128xf32, #tpu.memory_space<hbm>> -> memref<1x128x128xf32, #tpu.memory_space<hbm>>
    %dma_start3A_279 = tpu.memref_squeeze %dma_start3A_278 : memref<1x128x128xf32, #tpu.memory_space<hbm>> -> memref<128x128xf32, #tpu.memory_space<hbm>>
    tpu.enqueue_dma source(%arg11 : memref<128x128xf32, #tpu.memory_space<vmem>>) target(%dma_start3A_279 : memref<128x128xf32, #tpu.memory_space<hbm>>) target_semaphore(%arg23 : memref<!tpu.dma_semaphore, #tpu.memory_space<semaphore_mem>>)
    %dma_wait3A_280 = arith.constant 46 : i32
    %dma_wait3A_281 = arith.constant 0 : i32
    %dma_wait3A_282 = tpu.memref_slice %arg4[%dma_wait3A_280, %mul3A_2, %dma_wait3A_281] : memref<52x4096x128xf32, #tpu.memory_space<hbm>> -> memref<1x128x128xf32, #tpu.memory_space<hbm>>
    %dma_wait3A_283 = tpu.memref_squeeze %dma_wait3A_282 : memref<1x128x128xf32, #tpu.memory_space<hbm>> -> memref<128x128xf32, #tpu.memory_space<hbm>>
    %dma_wait3A_284 = arith.constant 0 : i32
    %dma_wait3A_285 = tpu.memref_slice %arg4[%dma_wait3A_280, %mul3A_2, %dma_wait3A_284] : memref<52x4096x128xf32, #tpu.memory_space<hbm>> -> memref<1x128x128xf32, #tpu.memory_space<hbm>>
    %dma_wait3A_286 = tpu.memref_squeeze %dma_wait3A_285 : memref<1x128x128xf32, #tpu.memory_space<hbm>> -> memref<128x128xf32, #tpu.memory_space<hbm>>
    tpu.wait_dma2 semaphore(%arg19 : memref<!tpu.dma_semaphore, #tpu.memory_space<semaphore_mem>>) src(%arg7 : memref<128x128xf32, #tpu.memory_space<vmem>>) dst(%dma_wait3A_286 : memref<128x128xf32, #tpu.memory_space<hbm>>)
    %dma_wait3A_287 = arith.constant 47 : i32
    %dma_wait3A_288 = arith.constant 0 : i32
    %dma_wait3A_289 = tpu.memref_slice %arg4[%dma_wait3A_287, %mul3A_2, %dma_wait3A_288] : memref<52x4096x128xf32, #tpu.memory_space<hbm>> -> memref<1x128x128xf32, #tpu.memory_space<hbm>>
    %dma_wait3A_290 = tpu.memref_squeeze %dma_wait3A_289 : memref<1x128x128xf32, #tpu.memory_space<hbm>> -> memref<128x128xf32, #tpu.memory_space<hbm>>
    %dma_wait3A_291 = arith.constant 0 : i32
    %dma_wait3A_292 = tpu.memref_slice %arg4[%dma_wait3A_287, %mul3A_2, %dma_wait3A_291] : memref<52x4096x128xf32, #tpu.memory_space<hbm>> -> memref<1x128x128xf32, #tpu.memory_space<hbm>>
    %dma_wait3A_293 = tpu.memref_squeeze %dma_wait3A_292 : memref<1x128x128xf32, #tpu.memory_space<hbm>> -> memref<128x128xf32, #tpu.memory_space<hbm>>
    tpu.wait_dma2 semaphore(%arg20 : memref<!tpu.dma_semaphore, #tpu.memory_space<semaphore_mem>>) src(%arg8 : memref<128x128xf32, #tpu.memory_space<vmem>>) dst(%dma_wait3A_293 : memref<128x128xf32, #tpu.memory_space<hbm>>)
    %dma_wait3A_294 = arith.constant 48 : i32
    %dma_wait3A_295 = arith.constant 0 : i32
    %dma_wait3A_296 = tpu.memref_slice %arg4[%dma_wait3A_294, %mul3A_2, %dma_wait3A_295] : memref<52x4096x128xf32, #tpu.memory_space<hbm>> -> memref<1x128x128xf32, #tpu.memory_space<hbm>>
    %dma_wait3A_297 = tpu.memref_squeeze %dma_wait3A_296 : memref<1x128x128xf32, #tpu.memory_space<hbm>> -> memref<128x128xf32, #tpu.memory_space<hbm>>
    %dma_wait3A_298 = arith.constant 0 : i32
    %dma_wait3A_299 = tpu.memref_slice %arg4[%dma_wait3A_294, %mul3A_2, %dma_wait3A_298] : memref<52x4096x128xf32, #tpu.memory_space<hbm>> -> memref<1x128x128xf32, #tpu.memory_space<hbm>>
    %dma_wait3A_300 = tpu.memref_squeeze %dma_wait3A_299 : memref<1x128x128xf32, #tpu.memory_space<hbm>> -> memref<128x128xf32, #tpu.memory_space<hbm>>
    tpu.wait_dma2 semaphore(%arg21 : memref<!tpu.dma_semaphore, #tpu.memory_space<semaphore_mem>>) src(%arg9 : memref<128x128xf32, #tpu.memory_space<vmem>>) dst(%dma_wait3A_300 : memref<128x128xf32, #tpu.memory_space<hbm>>)
    %dma_wait3A_301 = arith.constant 49 : i32
    %dma_wait3A_302 = arith.constant 0 : i32
    %dma_wait3A_303 = tpu.memref_slice %arg4[%dma_wait3A_301, %mul3A_2, %dma_wait3A_302] : memref<52x4096x128xf32, #tpu.memory_space<hbm>> -> memref<1x128x128xf32, #tpu.memory_space<hbm>>
    %dma_wait3A_304 = tpu.memref_squeeze %dma_wait3A_303 : memref<1x128x128xf32, #tpu.memory_space<hbm>> -> memref<128x128xf32, #tpu.memory_space<hbm>>
    %dma_wait3A_305 = arith.constant 0 : i32
    %dma_wait3A_306 = tpu.memref_slice %arg4[%dma_wait3A_301, %mul3A_2, %dma_wait3A_305] : memref<52x4096x128xf32, #tpu.memory_space<hbm>> -> memref<1x128x128xf32, #tpu.memory_space<hbm>>
    %dma_wait3A_307 = tpu.memref_squeeze %dma_wait3A_306 : memref<1x128x128xf32, #tpu.memory_space<hbm>> -> memref<128x128xf32, #tpu.memory_space<hbm>>
    tpu.wait_dma2 semaphore(%arg22 : memref<!tpu.dma_semaphore, #tpu.memory_space<semaphore_mem>>) src(%arg10 : memref<128x128xf32, #tpu.memory_space<vmem>>) dst(%dma_wait3A_307 : memref<128x128xf32, #tpu.memory_space<hbm>>)
    %dma_wait3A_308 = arith.constant 50 : i32
    %dma_wait3A_309 = arith.constant 0 : i32
    %dma_wait3A_310 = tpu.memref_slice %arg4[%dma_wait3A_308, %mul3A_2, %dma_wait3A_309] : memref<52x4096x128xf32, #tpu.memory_space<hbm>> -> memref<1x128x128xf32, #tpu.memory_space<hbm>>
    %dma_wait3A_311 = tpu.memref_squeeze %dma_wait3A_310 : memref<1x128x128xf32, #tpu.memory_space<hbm>> -> memref<128x128xf32, #tpu.memory_space<hbm>>
    %dma_wait3A_312 = arith.constant 0 : i32
    %dma_wait3A_313 = tpu.memref_slice %arg4[%dma_wait3A_308, %mul3A_2, %dma_wait3A_312] : memref<52x4096x128xf32, #tpu.memory_space<hbm>> -> memref<1x128x128xf32, #tpu.memory_space<hbm>>
    %dma_wait3A_314 = tpu.memref_squeeze %dma_wait3A_313 : memref<1x128x128xf32, #tpu.memory_space<hbm>> -> memref<128x128xf32, #tpu.memory_space<hbm>>
    tpu.wait_dma2 semaphore(%arg23 : memref<!tpu.dma_semaphore, #tpu.memory_space<semaphore_mem>>) src(%arg11 : memref<128x128xf32, #tpu.memory_space<vmem>>) dst(%dma_wait3A_314 : memref<128x128xf32, #tpu.memory_space<hbm>>)
    %dma_wait3A_315 = arith.constant 0 : i32
    %dma_wait3A_316 = arith.constant 0 : i32
    %dma_wait3A_317 = tpu.memref_slice %arg4[%dma_wait3A_315, %mul3A_2, %dma_wait3A_316] : memref<52x4096x128xf32, #tpu.memory_space<hbm>> -> memref<1x128x128xf32, #tpu.memory_space<hbm>>
    %dma_wait3A_318 = tpu.memref_squeeze %dma_wait3A_317 : memref<1x128x128xf32, #tpu.memory_space<hbm>> -> memref<128x128xf32, #tpu.memory_space<hbm>>
    %dma_wait3A_319 = arith.constant 0 : i32
    %dma_wait3A_320 = tpu.memref_slice %arg4[%dma_wait3A_315, %mul3A_2, %dma_wait3A_319] : memref<52x4096x128xf32, #tpu.memory_space<hbm>> -> memref<1x128x128xf32, #tpu.memory_space<hbm>>
    %dma_wait3A_321 = tpu.memref_squeeze %dma_wait3A_320 : memref<1x128x128xf32, #tpu.memory_space<hbm>> -> memref<128x128xf32, #tpu.memory_space<hbm>>
    tpu.wait_dma2 semaphore(%arg13 : memref<!tpu.dma_semaphore, #tpu.memory_space<semaphore_mem>>) src(%arg6 : memref<128x128xf32, #tpu.memory_space<vmem>>) dst(%dma_wait3A_321 : memref<128x128xf32, #tpu.memory_space<hbm>>)
    %dma_wait3A_322 = arith.constant 51 : i32
    %dma_wait3A_323 = arith.constant 0 : i32
    %dma_wait3A_324 = tpu.memref_slice %arg4[%dma_wait3A_322, %mul3A_2, %dma_wait3A_323] : memref<52x4096x128xf32, #tpu.memory_space<hbm>> -> memref<1x128x128xf32, #tpu.memory_space<hbm>>
    %dma_wait3A_325 = tpu.memref_squeeze %dma_wait3A_324 : memref<1x128x128xf32, #tpu.memory_space<hbm>> -> memref<128x128xf32, #tpu.memory_space<hbm>>
    %dma_wait3A_326 = arith.constant 0 : i32
    %dma_wait3A_327 = tpu.memref_slice %arg4[%dma_wait3A_322, %mul3A_2, %dma_wait3A_326] : memref<52x4096x128xf32, #tpu.memory_space<hbm>> -> memref<1x128x128xf32, #tpu.memory_space<hbm>>
    %dma_wait3A_328 = tpu.memref_squeeze %dma_wait3A_327 : memref<1x128x128xf32, #tpu.memory_space<hbm>> -> memref<128x128xf32, #tpu.memory_space<hbm>>
    tpu.wait_dma2 semaphore(%arg13 : memref<!tpu.dma_semaphore, #tpu.memory_space<semaphore_mem>>) src(%arg6 : memref<128x128xf32, #tpu.memory_space<vmem>>) dst(%dma_wait3A_328 : memref<128x128xf32, #tpu.memory_space<hbm>>)
    return
  }
}

</mosaic_0001>

<sc_bundles>
// kernel: kernel.3.cloned.1.call-start
scs
__scs_entry_jumppad:
0x0: {  	(pc) =	sbr.rel $0x88, $3  }
0x1: {  	(tag) =	ssettag $0x0;
	lr =	simm.s32 $0x1  }
0x2: {  	[smem:$0x3F9F] =	sst lr;
	_ =	strace $0xD0000000  }
0x3: {  	_ = 	snop  }
0x4: {  	_ = 	snop  }
0x5: {  	_ = 	snop  }
0x6: {  	_ = 	snop  }
0x7: {  	_ = 	snop  }
__scs_overlays_trampoline_lowered:
0x8: {  	[smem:$0x3FAE] =	sst s0  }
0x9: {  	[smem:$0x3FAF] =	sst s1  }
0xa: {  	[smem:$0x3FB0] =	sst s2  }
0xb: {  	[smem:$0x3FB1] =	sst s3  }
0xc: {  	[smem:$0x3FB2] =	sst s4  }
0xd: {  	[smem:$0x3FB3] =	sst s5  }
0xe: {  	[smem:$0x3FB4] =	sst s6  }
0xf: {  	[smem:$0x3FB5] =	sst s7  }
0x10: {  	[smem:$0x3FB6] =	sst s8  }
0x11: {  	[smem:$0x3FB7] =	sst s9;
	s0 =	simm.s32 @!p0 $0x0  }
0x12: {  	s1 =	sld [smem:$0x3F9D];
	s0 =	simm.s32 @p0 $0x1  }
0x13: {  	[smem:$0x3FB8] =	sst s0;
	s0 =	simm.s32 @!p1 $0x0  }
0x14: {  	s2 =	sld [smem:$0x3F9C];
	s0 =	simm.s32 @p1 $0x1  }
0x15: {  	[smem:$0x3FB9] =	sst s0;
	s0 =	simm.s32 @!p2 $0x0  }
0x16: {  	s3 =	sld [smem:$0x3FDB];
	s0 =	simm.s32 @p2 $0x1  }
0x17: {  	s4 =	simm.s32 $0x1BF5;
	[smem:$0x3FBB] =	sst s0  }
0x18: {  	s0 =	sld [smem:$0x3F9E];
	_ =	swait.ge [sflag:s4], $0x0  }
0x19: {  	s7 =	sld [smem:$0x3F9F]  }
0x1a: {  	s8 =	sadd.s32 $0xFFFFE003, lr  }
0x1b: {  	s9 =	sadd.s32 $0xFFFFFEF7, lr;
	s5 =	simm.s32 $0xFFFFFFFF;
	p2 =	slt.u32 s8, $0xFFFFF086  }
0x1c: {  	p1 =	slt.u32 s9, $0xF7A;
	s5 =	simm.s32 @!p2 $0x0  }
0x1d: {  	s5 =	simm.s32 @p1 $0x1;
	p0 =	seq.s32 s7, s2  }
0x1e: {  	s7 =	smul.u32 @!p0 $0xF7A, s2;
	p2 =	seq.s32 @!p0 s5, $0x0  }
0x1f: {  	s9 =	smul.u32 $0xF7A, s1;
	s8 =	simm.s32 @!p0 $0x1BF5;
	p2 =	por !p2, p0  }
0x20: {  	[sflag:s8] =	ssyncset.s32 @!p0 $0xFFFFF086;
	s6 =	sadd.s32 @!p0 s3, s7;
	s7 =	simm.s32 @!p0 $0x108  }
0x21: {  	s3 =	sadd.s32 s3, s9;
	s6 =	sadd.s32 @!p0 $0x88, s6;
	s7 =	simm.s32 @p2 $0x1082  }
0x22: {  	[simem:s7], [sflag:s8] =	dma.local @!p0 [hbm:s6], $0xF7A  }
0x23: {  	s9 =	sor.u32 $0xD0000000, s2;
	s6 =	simm.s32 $0x108;
	_ =	swait.ge @!p0 [sflag:s8], $0x0  }
0x24: {  	s3 =	sadd.s32 $0x88, s3;
	s6 =	simm.s32 @!p1 $0x1082;
	[sflag:s4] =	ssyncset.s32 $0xFFFFF086  }
0x25: {  	[simem:s6], [sflag:s4] =	dma.local [hbm:s3], $0xF7A  }
0x26: {  	[smem:$0x3F9F] =	sst s1;
	(tag) =	ssettag s2;
	_ =	strace s9  }
0x27: {  	s1 =	sld [smem:$0x3FAF]  }
0x28: {  	s2 =	sld [smem:$0x3FB0]  }
0x29: {  	s4 =	sld [smem:$0x3FB2]  }
0x2a: {  	p0 =	seq.s32 s5, $0x0;
	s5 =	sld [smem:$0x3FB3]  }
0x2b: {  	s6 =	sld [smem:$0x3FB4]  }
0x2c: {  	s7 =	sld [smem:$0x3FB5]  }
0x2d: {  	s3 =	simm.s32 $0x108;
	s8 =	sld [smem:$0x3FB6]  }
0x2e: {  	s3 =	simm.s32 @!p0 $0x1082;
	s9 =	sld [smem:$0x3FB7]  }
0x2f: {  	lr =	sadd.s32 s0, s3;
	s0 =	sld [smem:$0x3FAE]  }
0x30: {  	s3 =	sld [smem:$0x3FB1]  }
0x31: {  	[smem:$0x3FBA] =	sst s10  }
0x32: {  	s10 =	sld [smem:$0x3FB8];
	_ =	sdelay $0x3  }
0x33: {  	p0 =	seq.s32 s10, $0x1;
	s10 =	sld [smem:$0x3FBA];
	_ =	sdelay $0x3  }
0x34: {  	[smem:$0x3FBA] =	sst s10  }
0x35: {  	s10 =	sld [smem:$0x3FB9];
	_ =	sdelay $0x3  }
0x36: {  	p1 =	seq.s32 s10, $0x1;
	s10 =	sld [smem:$0x3FBA];
	_ =	sdelay $0x3  }
0x37: {  	[smem:$0x3FBA] =	sst s10  }
0x38: {  	s10 =	sld [smem:$0x3FBB]  }
0x39: {  	_ = 	snop;
	(pc) =	sbr.ind lr, $3  }
0x3a: {  	_ = 	snop  }
0x3b: {  	_ = 	snop  }
0x3c: {  	p2 =	seq.s32 s10, $0x1;
	s10 =	sld [smem:$0x3FBA]  }
0x3d: {  	_ =	shalt  }
0x3e: {  	_ =	shalt  }
0x3f: {  	_ =	shalt  }
0x40: {  	_ =	shalt  }
0x41: {  	_ =	shalt  }
0x42: {  	_ =	shalt  }
0x43: {  	_ =	shalt  }
0x44: {  	_ =	shalt  }
0x45: {  	_ =	shalt  }
0x46: {  	_ =	shalt  }
0x47: {  	_ =	shalt  }
0x48: {  	_ =	shalt  }
0x49: {  	_ =	shalt  }
0x4a: {  	_ =	shalt  }
0x4b: {  	_ =	shalt  }
0x4c: {  	_ =	shalt  }
0x4d: {  	_ =	shalt  }
0x4e: {  	_ =	shalt  }
0x4f: {  	_ =	shalt  }
0x50: {  	_ =	shalt  }
0x51: {  	_ =	shalt  }
0x52: {  	_ =	shalt  }
0x53: {  	_ =	shalt  }
0x54: {  	_ =	shalt  }
0x55: {  	_ =	shalt  }
0x56: {  	_ =	shalt  }
0x57: {  	_ =	shalt  }
0x58: {  	_ =	shalt  }
0x59: {  	_ =	shalt  }
0x5a: {  	_ =	shalt  }
0x5b: {  	_ =	shalt  }
0x5c: {  	_ =	shalt  }
0x5d: {  	_ =	shalt  }
0x5e: {  	_ =	shalt  }
0x5f: {  	_ =	shalt  }
0x60: {  	_ =	shalt  }
0x61: {  	_ =	shalt  }
0x62: {  	_ =	shalt  }
0x63: {  	_ =	shalt  }
0x64: {  	_ =	shalt  }
0x65: {  	_ =	shalt  }
0x66: {  	_ =	shalt  }
0x67: {  	_ =	shalt  }
0x68: {  	_ =	shalt  }
0x69: {  	_ =	shalt  }
0x6a: {  	_ =	shalt  }
0x6b: {  	_ =	shalt  }
0x6c: {  	_ =	shalt  }
0x6d: {  	_ =	shalt  }
0x6e: {  	_ =	shalt  }
0x6f: {  	_ =	shalt  }
0x70: {  	_ =	shalt  }
0x71: {  	_ =	shalt  }
0x72: {  	_ =	shalt  }
0x73: {  	_ =	shalt  }
0x74: {  	_ =	shalt  }
0x75: {  	_ =	shalt  }
0x76: {  	_ =	shalt  }
0x77: {  	_ =	shalt  }
0x78: {  	_ =	shalt  }
0x79: {  	_ =	shalt  }
0x7a: {  	_ =	shalt  }
0x7b: {  	_ =	shalt  }
0x7c: {  	_ =	shalt  }
0x7d: {  	_ =	shalt  }
0x7e: {  	_ =	shalt  }
0x7f: {  	_ =	shalt  }
0x80: {  	_ =	shalt  }
0x81: {  	_ =	shalt  }
0x82: {  	_ =	shalt  }
0x83: {  	_ =	shalt  }
0x84: {  	_ =	shalt  }
0x85: {  	_ =	shalt  }
0x86: {  	_ =	shalt  }
0x87: {  	_ =	shalt  }
.Lfunc_end0:
.L_simem_size_0:
called_computation_lowered:
.L_overlay_start_0:
0x88: {  	s2 =	sld [smem:$0x3FD9]  }
0x89: {  	s3 =	sld [smem:$0x3FFE];
	_ =	sdelay $0x1  }
0x8a: {  	s1 =	srdreg.scid  }
0x8b: {  	s0 =	sand.u32 $0x1, s1  }
0x8c: {  	s18 =	sshll.u32 s0, $0xA;
	s2 =	sadd.s32 s3, s2  }
0x8d: {  	s2 =	sadd.s32 s2, s18  }
0x8e: {  	[smem:$0x3FC6] =	sst s2  }
0x8f: {  	_ = 	snop  }
0x90: {  	s2 =	sld [smem:$0x3FC9]  }
0x91: {  	s19 =	sld [smem:$0x3FC8]  }
0x92: {  	s4 =	sld [smem:$0x3FD0];
	(tm) =	ssettm $0x1  }
0x93: {  	s5 =	sld [smem:$0x3FFB];
	_ =	sdelay $0x3  }
0x94: {  	_ =	strace s5  }
0x95: {  	s5 =	sld [smem:$0x3FFC];
	_ =	sdelay $0x3  }
0x96: {  	_ =	strace s5  }
0x97: {  	s5 =	sld [smem:$0x3FFD];
	_ =	sdelay $0x3  }
0x98: {  	_ =	strace s5  }
0x99: {  	_ =	strace $0x8FFFFFFF  }
0x9a: {  	s20 =	sld [smem:$0x3FDB];
	_ =	sdelay $0x1  }
0x9b: {  	s6 =	simm.s32 $_scs_section_size  }
0x9c: {  	s7 =	simm.s32 $_size__tile_overlayer_lowered;
	s8 =	simm.s32 $_tile_overlayer_lowered  }
0x9d: {  	s23 =	simm.s32 $0x1BFF;
	s22 =	sshll.u32 s8, $0x1;
	s5 =	sadd.s32 s6, s20  }
0x9e: {  	s9 =	simm.s32 $0x0;
	s21 =	sshll.u32 s7, $0x1;
	s7 =	sadd.s32 s22, s5  }
0x9f: {  	[timem:s9], [sflag:s23] =	dma.local [hbm:s7], s21  }
0xa0: {  	_ =	swait.ge [sflag:s23], s21  }
0xa1: {  	s6 =	ssub.s32 $0x0, s21;
	[sflag:s23] =	ssyncset.done $0x0  }
0xa2: {  	[sflag:s23] =	ssyncadd.s32 s6;
	_ =	sdelay $0x1  }
0xa3: {  	s24 =	simm.s32 $0x1B8B  }
0xa4: {  	_ =	swait.ge [sflag:s24], $0x1  }
0xa5: {  	[sflag:s24] =	ssyncset.done $0x0  }
0xa6: {  	s25 =	simm.s32 $0x1B8E;
	[sflag:s24] =	ssyncadd.s32 $0xFFFFFFFF  }
0xa7: {  	s26 =	simm.s32 $execute0_lowered;
	[smem:$0x3FD2] =	sst s25  }
0xa8: {  	s6 =	sshll.u32 s26, $0x1;
	_ =	strace $0x80000046;
	[dreg:$0x1] =	wrdreg $0xFFFFFFFF  }
0xa9: {  	s28 =	simm.s32 $_size_execute0_lowered;
	s5 =	sadd.s32 s5, s6;
	[dreg:$0x0] =	wrdreg $0x0  }
0xaa: {  	s6 =	sshll.u32 s28, $0x1;
	[dreg:$0x2] =	wrdreg s5  }
0xab: {  	[dreg:$0x3] =	wrdreg s6  }
0xac: {  	[dreg:$0x4] =	wrdreg $0xC0  }
0xad: {  	_ =	task [dreg:s9], $0x5FFFF  }
0xae: {  	[dreg:$0x1] =	wrdreg $0xFFFFFFFF  }
0xaf: {  	[dreg:$0x0] =	wrdreg $0x60  }
0xb0: {  	[dreg:$0x2] =	wrdreg s2  }
0xb1: {  	[dreg:$0x3] =	wrdreg s19  }
0xb2: {  	[dreg:$0x4] =	wrdreg s4  }
0xb3: {  	[dreg:$0x5] =	wrdreg $0x9  }
0xb4: {  	_ =	task.clear_ibuf [dreg:s9], $0x6FFFF;
	_ =	strace $0x90000046  }
0xb5: {  	s29 =	simm.s32 $0x9;
	_ =	strace $0x80000048  }
0xb6: {  	_ =	swait.ge [sflag:s29], $0x1  }
0xb7: {  	[sflag:s29] =	ssyncadd.s32 $0xFFFFFFFF  }
0xb8: {  	_ =	strace $0x90000048  }
0xb9: {  	_ =	sfence  }
0xba: {  	s30 =	sld [smem:$0x0];
	_ =	sdelay $0x2  }
0xbb: {  	s31 =	sshll.u32 s1, $0xD;
	s1 =	sshrl.u32 s1, $0x2  }
0xbc: {  	s3 =	sand.u32 $0x4000, s31;
	s1 =	sadd.s32 s1, s30  }
0xbd: {  	s0 =	sor.u32 s3, s0;
	s1 =	sshll.u32 s1, $0x11  }
0xbe: {  	s0 =	sor.u32 s1, s0  }
0xbf: {  	s0 =	sadd.s32 $0x8F2B, s0  }
0xc0: {  	[sflag:s0] =	ssyncadd.remote.s32 $0x1  }
0xc1: {  	_ =	sfence.sel $0xFFFF  }
0xc2: {  	[dreg:$0x0] =	wrdreg $0xFFFFFFFF;
	(pc) =	sbr.abs _section_cstart, $3  }
0xc3: {  	[dreg:$0x1] =	wrdreg $0xFFFFFFFF  }
0xc4: {  	_ =	task.clear_ibuf [dreg:s9], $0x2FFFF;
	_ =	strace $0x9FFFFFFF  }
0xc5: {  	(tm) =	ssettm $0x7FFFFFFF  }
tec
execute0_lowered:
.L_overlay_start_1:
0x0: {  	(tag) =	ssettag $0x1  }
0x1: {  	s1 =	rddreg [dreg:$0x0]  }
0x2: {  	s0 =	rddreg [dreg:$0x1]  }
0x3: {  	s3 =	rddreg [dreg:$0x2]  }
0x4: {  	s2 =	srdreg.scid;
	s9 =	stileid.u32;
	s4 =	simm.s32 $0x0  }
0x5: {  	s31 =	simm.s32 $0x80;
	s2 =	sand.u32 $0x1, s2;
	s6 =	sshll.u32 s9, $0x7  }
0x6: {  	[smem:$0x7FF] =	sst s4;
	s16 =	sshll.u32 s9, $0xE;
	s9 =	simm.s32 $0x4  }
0x7: {  	s5 =	sshll.u32 s2, $0xB;
	_ =	strace $0x80000047;
	s30 =	ssub.s32 $0x2, s2  }
0x8: {  	s2 =	sshll.u32 s2, $0x12;
	s5 =	sor.u32 s6, s5;
	s8 =	sshrl.u32 s30, $0x1  }
0x9: {  	s2 =	sor.u32 s16, s2;
	s7 =	sshll.u32 s5, $0x4;
	s5 =	sadd.s32 s0, s5  }
0xa: {  	s16 =	simm.s32 $0xC;
	[dreg:$0x4] =	wrdreg s5;
	s5 =	sadd.s32 $0x6000, s5  }
0xb: {  	s10 =	ssub.s32 s30, s8;
	s7 =	sadd.s32 s3, s7;
	[dreg:$0x6] =	wrdreg s5  }
0xc: {  	s21 =	sor.u32 $0x200000, s2;
	s0 =	smax.u32 s10, $0x1;
	[dreg:$0x5] =	wrdreg s7  }
0xd: {  	s25 =	sor.u32 $0x180000, s2;
	s11 =	sadd.s32 $0x330000, s7;
	[dreg:$0x12] =	wrdreg s0  }
0xe: {  	s26 =	sor.u32 $0x100000, s2;
	s12 =	sadd.s32 $0x290000, s7;
	[dreg:$0x7] =	wrdreg s11  }
0xf: {  	s28 =	sor.u32 $0x80000, s2;
	s13 =	sadd.s32 $0x2A0000, s7;
	[dreg:$0x8] =	wrdreg s12  }
0x10: {  	s8 =	simm.s32 $0x3;
	s14 =	sadd.s32 $0x2B0000, s7;
	[dreg:$0x9] =	wrdreg s13  }
0x11: {  	s29 =	sshrl.u32 s26, $0x3;
	s15 =	sadd.s32 $0x2C0000, s7;
	[dreg:$0xa] =	wrdreg s14  }
0x12: {  	s30 =	sshrl.u32 s28, $0x3;
	s17 =	sadd.s32 $0x2D0000, s7;
	[dreg:$0xb] =	wrdreg s15  }
0x13: {  	s26 =	simm.s32 $0xDC00;
	s18 =	sadd.s32 $0x2E0000, s7;
	[dreg:$0xc] =	wrdreg s17  }
0x14: {  	s10 =	simm.s32 $0x5;
	s19 =	sadd.s32 $0x2F0000, s7;
	[dreg:$0xd] =	wrdreg s18  }
0x15: {  	s20 =	sadd.s32 $0x300000, s7;
	s22 =	sadd.s32 $0x310000, s7;
	[dreg:$0xe] =	wrdreg s19  }
0x16: {  	s23 =	sadd.s32 $0x320000, s7;
	s5 =	sshrl.u32 s21, $0x3;
	[dreg:$0xf] =	wrdreg s20  }
0x17: {  	s0 =	sshrl.u32 s25, $0x3;
	s21 =	simm.s32 $0x1800;
	[dreg:$0x10] =	wrdreg s22  }
0x18: {  	s25 =	simm.s32 $0x11C00;
	s7 =	simm.s32 $0x15C00;
	[dreg:$0x11] =	wrdreg s23  }
0x19: {  	s24 =	sadd.s32 s5, s3;
	s0 =	sadd.s32 s0, s3;
	s23 =	sadd.s32 s30, s3  }
0x1a: {  	s11 =	simm.s32 $0x6;
	s12 =	simm.s32 $0x7;
	s5 =	simm.s32 $0x8  }
0x1b: {  	s13 =	simm.s32 $0x9;
	s14 =	simm.s32 $0xA;
	s15 =	simm.s32 $0xB  }
0x1c: {  	s17 =	simm.s32 $0x2;
	s18 =	simm.s32 $0x0;
	[dreg:$0x13] =	wrdreg s24  }
0x1d: {  	[dreg:$0x14] =	wrdreg s0;
	s0 =	sadd.s32 s29, s3;
	s24 =	sor.u32 $0x280000, s2  }
0x1e: {  	v0 =	vimm.f32 $0.0e+00;
	s2 =	simm.s32 $0x9C00;
	[dreg:$0x15] =	wrdreg s0;
	s0 =	simm.s32 $0x5C00  }
.LBB2_1:
0x1f: {  	s6 =	rddreg [dreg:$0x4];
	s19 =	simm.s32 $0x400;
	s20 =	simm.s32 $0x8000  }
0x20: {  	[tilespmem:s4], [sflag:$0x1] =	stream.strided.gather [hbm4b:s6+s19], $0x1800, s20, s19, $0x38;
	[tilespmem:$0x19C00] =	vst v63  }
0x21: {  	s30 =	rddreg [dreg:$0x6];
	s6 =	simm.s32 $0x0;
	s19 =	simm.s32 $0x200  }
0x22: {  	[tilespmem:s21], [sflag:$0x1] =	stream.linear.gather [hbm4b:s30+s4], $0x100, $0x38;
	[tilespmem:$0x19C00] =	vst v63  }
.LBB2_2:
0x23: {  	p0 =	sne.s32 s19, $0xFE00;
	[tilespmem:s6+$0x1C70] =	vst v0  }
0x24: {  	[tilespmem:s6+$0x1C00] =	vst v0  }
0x25: {  	[tilespmem:s6+$0x1C10] =	vst v0  }
.Ltmp0:
0x26: {  	[tilespmem:s6+$0x1C20] =	vst v0;
	(pc) =	sbr.rel @p0 .LBB2_2-.Ltmp0, $4  }
0x27: {  	[tilespmem:s6+$0x1C30] =	vst v0  }
0x28: {  	[tilespmem:s6+$0x1C40] =	vst v0  }
0x29: {  	[tilespmem:s6+$0x1C50] =	vst v0  }
0x2a: {  	[tilespmem:s6+$0x1C60] =	vst v0;
	s6 =	sshra.s32 s19, $0x2;
	s19 =	sadd.s32 $0x200, s19  }
0x2b: {  	[tilespmem:s6+$0x1C70] =	vst v0  }
0x2c: {  	[tilespmem:s6+$0x1C00] =	vst v0  }
0x2d: {  	[tilespmem:s6+$0x1C10] =	vst v0  }
0x2e: {  	[tilespmem:s6+$0x1C20] =	vst v0  }
0x2f: {  	[tilespmem:s6+$0x1C30] =	vst v0  }
0x30: {  	[tilespmem:s6+$0x1C40] =	vst v0  }
0x31: {  	[tilespmem:s6+$0x1C50] =	vst v0  }
0x32: {  	[tilespmem:s6+$0x1C60] =	vst v0;
	s6 =	simm.s32 $0x0;
	s19 =	rddreg [dreg:$0x5];
	s20 =	simm.s32 $0x1C00  }
0x33: {  	[hbm4b:s19+s6] =	stream.linear.scatter [tilespmem:s20], [sflag:$0x2], $0x4000, $0x38;
	[tilespmem:$0x19C00] =	vst v63  }
0x34: {  	s21 =	rddreg [dreg:$0x7];
	s22 =	simm.s32 $0x1  }
0x35: {  	[hbm4b:s21+s6] =	stream.linear.scatter [tilespmem:s20], [sflag:$0x2], $0x4000, $0x38;
	[tilespmem:$0x19C00] =	vst v63  }
0x36: {  	_ =	swait.ge [sflag:s22], $0x1900  }
0x37: {  	[sflag:s22] =	ssyncset.done $0x0  }
0x38: {  	[sflag:s22] =	ssyncadd.s32 $0xFFFFE700  }
0x39: {  	[tilespmem:s0], [sflag:$0x3] =	stream.indirect.gather [hbm4b:s1+s31], $0x80, s6, s31, $0xb8;
	[tilespmem:$0x19C00] =	vst v63  }
0x3a: {  	_ = 	snop  }
0x3b: {  	[tilespmem:s2], [sflag:$0x4] =	stream.indirect.gather [hbm4b:s1+s31], $0x80, s31, s31, $0xb8;
	[tilespmem:$0x19C00] =	vst v63  }
0x3c: {  	s20 =	simm.s32 $0x100  }
0x3d: {  	[tilespmem:s26], [sflag:$0x5] =	stream.indirect.gather [hbm4b:s1+s31], $0x80, s20, s31, $0xb8;
	[tilespmem:$0x19C00] =	vst v63  }
0x3e: {  	s21 =	simm.s32 $0x180  }
0x3f: {  	[tilespmem:s25], [sflag:$0x6] =	stream.indirect.gather [hbm4b:s1+s31], $0x80, s21, s31, $0xb8;
	[tilespmem:$0x19C00] =	vst v63  }
0x40: {  	s22 =	simm.s32 $0x200  }
0x41: {  	[tilespmem:s7], [sflag:$0x7] =	stream.indirect.gather [hbm4b:s1+s31], $0x80, s22, s31, $0xb8;
	[tilespmem:$0x19C00] =	vst v63  }
0x42: {  	_ =	swait.ge [sflag:s8], $0x4000  }
0x43: {  	[sflag:s8] =	ssyncset.done $0x0  }
0x44: {  	[sflag:s8] =	ssyncadd.s32 $0xFFFFC000  }
0x45: {  	[hbm4b:s23+s4] =	stream.linear.scatter [tilespmem:s0], [sflag:$0x8], $0x4000, $0x38;
	[tilespmem:$0x19C00] =	vst v63  }
0x46: {  	_ =	swait.ge [sflag:s9], $0x4000  }
0x47: {  	[sflag:s9] =	ssyncset.done $0x0  }
0x48: {  	s22 =	rddreg [dreg:$0x15];
	[sflag:s9] =	ssyncadd.s32 $0xFFFFC000  }
0x49: {  	[hbm4b:s22+s4] =	stream.linear.scatter [tilespmem:s2], [sflag:$0x9], $0x4000, $0x38;
	[tilespmem:$0x19C00] =	vst v63  }
0x4a: {  	_ =	swait.ge [sflag:s10], $0x4000  }
0x4b: {  	[sflag:s10] =	ssyncset.done $0x0  }
0x4c: {  	s21 =	rddreg [dreg:$0x14];
	[sflag:s10] =	ssyncadd.s32 $0xFFFFC000  }
0x4d: {  	[hbm4b:s21+s4] =	stream.linear.scatter [tilespmem:s26], [sflag:$0xA], $0x4000, $0x38;
	[tilespmem:$0x19C00] =	vst v63  }
0x4e: {  	_ =	swait.ge [sflag:s11], $0x4000  }
0x4f: {  	[sflag:s11] =	ssyncset.done $0x0  }
0x50: {  	s20 =	rddreg [dreg:$0x13];
	[sflag:s11] =	ssyncadd.s32 $0xFFFFC000  }
0x51: {  	[hbm4b:s20+s4] =	stream.linear.scatter [tilespmem:s25], [sflag:$0xB], $0x4000, $0x38;
	[tilespmem:$0x19C00] =	vst v63  }
0x52: {  	_ =	swait.ge [sflag:s12], $0x4000  }
0x53: {  	s19 =	sshrl.u32 s24, $0x3;
	[sflag:s12] =	ssyncset.done $0x0  }
0x54: {  	s6 =	sadd.s32 s3, s19;
	[sflag:s12] =	ssyncadd.s32 $0xFFFFC000  }
0x55: {  	[hbm4b:s6+s4] =	stream.linear.scatter [tilespmem:s7], [sflag:$0xC], $0x4000, $0x38;
	[tilespmem:$0x19C00] =	vst v63  }
0x56: {  	_ =	swait.ge [sflag:s5], $0x4000  }
0x57: {  	[sflag:s5] =	ssyncset.done $0x0  }
0x58: {  	s19 =	simm.s32 $0x280;
	[sflag:s5] =	ssyncadd.s32 $0xFFFFC000  }
0x59: {  	[tilespmem:s0], [sflag:$0x3] =	stream.indirect.gather [hbm4b:s1+s31], $0x80, s19, s31, $0xb8;
	[tilespmem:$0x19C00] =	vst v63  }
0x5a: {  	_ =	swait.ge [sflag:s13], $0x4000  }
0x5b: {  	[sflag:s13] =	ssyncset.done $0x0  }
0x5c: {  	s19 =	simm.s32 $0x300;
	[sflag:s13] =	ssyncadd.s32 $0xFFFFC000  }
0x5d: {  	[tilespmem:s2], [sflag:$0x4] =	stream.indirect.gather [hbm4b:s1+s31], $0x80, s19, s31, $0xb8;
	[tilespmem:$0x19C00] =	vst v63  }
0x5e: {  	_ =	swait.ge [sflag:s14], $0x4000  }
0x5f: {  	[sflag:s14] =	ssyncset.done $0x0  }
0x60: {  	s19 =	simm.s32 $0x380;
	[sflag:s14] =	ssyncadd.s32 $0xFFFFC000  }
0x61: {  	[tilespmem:s26], [sflag:$0x5] =	stream.indirect.gather [hbm4b:s1+s31], $0x80, s19, s31, $0xb8;
	[tilespmem:$0x19C00] =	vst v63  }
0x62: {  	_ =	swait.ge [sflag:s15], $0x4000  }
0x63: {  	[sflag:s15] =	ssyncset.done $0x0  }
0x64: {  	s28 =	sadd.s32 $0x50000, s23;
	s6 =	simm.s32 $0x400;
	[sflag:s15] =	ssyncadd.s32 $0xFFFFC000  }
0x65: {  	[tilespmem:s25], [sflag:$0x6] =	stream.indirect.gather [hbm4b:s1+s31], $0x80, s6, s31, $0xb8;
	[tilespmem:$0x19C00] =	vst v63  }
0x66: {  	s29 =	sadd.s32 $0x280000, s24;
	s30 =	sadd.s32 $0x50000, s22;
	_ =	swait.ge [sflag:s16], $0x4000  }
0x67: {  	s20 =	sadd.s32 $0x50000, s20;
	s19 =	simm.s32 $0xA00;
	[sflag:s16] =	ssyncset.done $0x0  }
0x68: {  	s6 =	sadd.s32 $0x50000, s21;
	s21 =	simm.s32 $0x480;
	[sflag:s16] =	ssyncadd.s32 $0xFFFFC000  }
.LBB2_4:
0x69: {  	[tilespmem:s7], [sflag:$0x7] =	stream.indirect.gather [hbm4b:s1+s31], $0x80, s21, s31, $0xb8;
	[tilespmem:$0x19C00] =	vst v63  }
0x6a: {  	s21 =	smov.u32 s19  }
0x6b: {  	p0 =	sne.s32 s19, $0x4600;
	s19 =	sadd.s32 $0xA00, s19;
	_ =	swait.ge [sflag:s8], $0x4000  }
0x6c: {  	[sflag:s8] =	ssyncset.done $0x0  }
0x6d: {  	[sflag:s8] =	ssyncadd.s32 $0xFFFFC000  }
0x6e: {  	[hbm4b:s28+s4] =	stream.linear.scatter [tilespmem:s0], [sflag:$0x8], $0x4000, $0x38;
	[tilespmem:$0x19C00] =	vst v63  }
0x6f: {  	_ =	swait.ge [sflag:s9], $0x4000  }
0x70: {  	[sflag:s9] =	ssyncset.done $0x0  }
0x71: {  	[sflag:s9] =	ssyncadd.s32 $0xFFFFC000  }
0x72: {  	[hbm4b:s30+s4] =	stream.linear.scatter [tilespmem:s2], [sflag:$0x9], $0x4000, $0x38;
	[tilespmem:$0x19C00] =	vst v63  }
0x73: {  	_ =	swait.ge [sflag:s10], $0x4000  }
0x74: {  	[sflag:s10] =	ssyncset.done $0x0  }
0x75: {  	[sflag:s10] =	ssyncadd.s32 $0xFFFFC000  }
0x76: {  	[hbm4b:s6+s4] =	stream.linear.scatter [tilespmem:s26], [sflag:$0xA], $0x4000, $0x38;
	[tilespmem:$0x19C00] =	vst v63  }
0x77: {  	_ =	swait.ge [sflag:s11], $0x4000  }
0x78: {  	[sflag:s11] =	ssyncset.done $0x0  }
0x79: {  	[sflag:s11] =	ssyncadd.s32 $0xFFFFC000  }
0x7a: {  	[hbm4b:s20+s4] =	stream.linear.scatter [tilespmem:s25], [sflag:$0xB], $0x4000, $0x38;
	[tilespmem:$0x19C00] =	vst v63  }
0x7b: {  	_ =	swait.ge [sflag:s12], $0x4000  }
0x7c: {  	s22 =	sshrl.u32 s29, $0x3;
	[sflag:s12] =	ssyncset.done $0x0  }
0x7d: {  	s22 =	sadd.s32 s3, s22;
	[sflag:s12] =	ssyncadd.s32 $0xFFFFC000  }
0x7e: {  	[hbm4b:s22+s4] =	stream.linear.scatter [tilespmem:s7], [sflag:$0xC], $0x4000, $0x38;
	[tilespmem:$0x19C00] =	vst v63  }
0x7f: {  	_ =	swait.ge [sflag:s5], $0x4000  }
0x80: {  	s21 =	sshra.s32 s21, $0x2;
	[sflag:s5] =	ssyncset.done $0x0  }
0x81: {  	s22 =	sadd.s32 $0x280, s21;
	[sflag:s5] =	ssyncadd.s32 $0xFFFFC000  }
0x82: {  	[tilespmem:s0], [sflag:$0x3] =	stream.indirect.gather [hbm4b:s1+s31], $0x80, s22, s31, $0xb8;
	[tilespmem:$0x19C00] =	vst v63  }
0x83: {  	_ =	swait.ge [sflag:s13], $0x4000  }
0x84: {  	[sflag:s13] =	ssyncset.done $0x0  }
0x85: {  	s22 =	sadd.s32 $0x300, s21;
	[sflag:s13] =	ssyncadd.s32 $0xFFFFC000  }
0x86: {  	[tilespmem:s2], [sflag:$0x4] =	stream.indirect.gather [hbm4b:s1+s31], $0x80, s22, s31, $0xb8;
	[tilespmem:$0x19C00] =	vst v63  }
0x87: {  	_ =	swait.ge [sflag:s14], $0x4000  }
0x88: {  	[sflag:s14] =	ssyncset.done $0x0  }
0x89: {  	s22 =	sadd.s32 $0x380, s21;
	[sflag:s14] =	ssyncadd.s32 $0xFFFFC000  }
0x8a: {  	[tilespmem:s26], [sflag:$0x5] =	stream.indirect.gather [hbm4b:s1+s31], $0x80, s22, s31, $0xb8;
	[tilespmem:$0x19C00] =	vst v63  }
0x8b: {  	_ =	swait.ge [sflag:s15], $0x4000  }
0x8c: {  	[sflag:s15] =	ssyncset.done $0x0  }
.Ltmp1:
0x8d: {  	s22 =	sadd.s32 $0x400, s21;
	[sflag:s15] =	ssyncadd.s32 $0xFFFFC000;
	(pc) =	sbr.rel @p0 .LBB2_4-.Ltmp1, $4  }
0x8e: {  	[tilespmem:s25], [sflag:$0x6] =	stream.indirect.gather [hbm4b:s1+s31], $0x80, s22, s31, $0xb8;
	[tilespmem:$0x19C00] =	vst v63  }
0x8f: {  	s29 =	sadd.s32 $0x280000, s29;
	s28 =	sadd.s32 $0x50000, s28;
	_ =	swait.ge [sflag:s16], $0x4000  }
0x90: {  	s30 =	sadd.s32 $0x50000, s30;
	s6 =	sadd.s32 $0x50000, s6;
	[sflag:s16] =	ssyncset.done $0x0  }
0x91: {  	s20 =	sadd.s32 $0x50000, s20;
	s21 =	sadd.s32 $0x480, s21;
	[sflag:s16] =	ssyncadd.s32 $0xFFFFC000  }
0x92: {  	[tilespmem:s7], [sflag:$0x7] =	stream.indirect.gather [hbm4b:s1+s31], $0x80, s21, s31, $0xb8;
	[tilespmem:$0x19C00] =	vst v63  }
0x93: {  	_ =	swait.ge [sflag:s8], $0x4000  }
0x94: {  	[sflag:s8] =	ssyncset.done $0x0  }
0x95: {  	s6 =	rddreg [dreg:$0x8];
	[sflag:s8] =	ssyncadd.s32 $0xFFFFC000  }
0x96: {  	[hbm4b:s6+s4] =	stream.linear.scatter [tilespmem:s0], [sflag:$0x8], $0x4000, $0x38;
	[tilespmem:$0x19C00] =	vst v63  }
0x97: {  	_ =	swait.ge [sflag:s9], $0x4000  }
0x98: {  	[sflag:s9] =	ssyncset.done $0x0  }
0x99: {  	s30 =	rddreg [dreg:$0x9];
	[sflag:s9] =	ssyncadd.s32 $0xFFFFC000  }
0x9a: {  	[hbm4b:s30+s4] =	stream.linear.scatter [tilespmem:s2], [sflag:$0x9], $0x4000, $0x38;
	[tilespmem:$0x19C00] =	vst v63  }
0x9b: {  	_ =	swait.ge [sflag:s10], $0x4000  }
0x9c: {  	[sflag:s10] =	ssyncset.done $0x0  }
0x9d: {  	s19 =	rddreg [dreg:$0xa];
	[sflag:s10] =	ssyncadd.s32 $0xFFFFC000  }
0x9e: {  	[hbm4b:s19+s4] =	stream.linear.scatter [tilespmem:s26], [sflag:$0xA], $0x4000, $0x38;
	[tilespmem:$0x19C00] =	vst v63  }
0x9f: {  	_ =	swait.ge [sflag:s11], $0x4000  }
0xa0: {  	[sflag:s11] =	ssyncset.done $0x0  }
0xa1: {  	s20 =	rddreg [dreg:$0xb];
	[sflag:s11] =	ssyncadd.s32 $0xFFFFC000  }
0xa2: {  	[hbm4b:s20+s4] =	stream.linear.scatter [tilespmem:s25], [sflag:$0xB], $0x4000, $0x38;
	[tilespmem:$0x19C00] =	vst v63  }
0xa3: {  	_ =	swait.ge [sflag:s12], $0x4000  }
0xa4: {  	[sflag:s12] =	ssyncset.done $0x0  }
0xa5: {  	s21 =	rddreg [dreg:$0xc];
	[sflag:s12] =	ssyncadd.s32 $0xFFFFC000  }
0xa6: {  	[hbm4b:s21+s4] =	stream.linear.scatter [tilespmem:s7], [sflag:$0xC], $0x4000, $0x38;
	[tilespmem:$0x19C00] =	vst v63  }
0xa7: {  	_ =	swait.ge [sflag:s5], $0x4000  }
0xa8: {  	[sflag:s5] =	ssyncset.done $0x0  }
0xa9: {  	s22 =	simm.s32 $0x1680;
	[sflag:s5] =	ssyncadd.s32 $0xFFFFC000  }
0xaa: {  	[tilespmem:s0], [sflag:$0x3] =	stream.indirect.gather [hbm4b:s1+s31], $0x80, s22, s31, $0xb8;
	[tilespmem:$0x19C00] =	vst v63  }
0xab: {  	_ =	swait.ge [sflag:s13], $0x4000  }
0xac: {  	[sflag:s13] =	ssyncset.done $0x0  }
0xad: {  	s28 =	simm.s32 $0x1700;
	[sflag:s13] =	ssyncadd.s32 $0xFFFFC000  }
0xae: {  	[tilespmem:s2], [sflag:$0x4] =	stream.indirect.gather [hbm4b:s1+s31], $0x80, s28, s31, $0xb8;
	[tilespmem:$0x19C00] =	vst v63  }
0xaf: {  	_ =	swait.ge [sflag:s14], $0x4000  }
0xb0: {  	[sflag:s14] =	ssyncset.done $0x0  }
0xb1: {  	s29 =	simm.s32 $0x1780;
	[sflag:s14] =	ssyncadd.s32 $0xFFFFC000  }
0xb2: {  	[tilespmem:s26], [sflag:$0x5] =	stream.indirect.gather [hbm4b:s1+s31], $0x80, s29, s31, $0xb8;
	[tilespmem:$0x19C00] =	vst v63  }
0xb3: {  	_ =	swait.ge [sflag:s15], $0x4000  }
0xb4: {  	[sflag:s15] =	ssyncset.done $0x0  }
0xb5: {  	s21 =	simm.s32 $0x1800;
	[sflag:s15] =	ssyncadd.s32 $0xFFFFC000  }
0xb6: {  	[tilespmem:s25], [sflag:$0x6] =	stream.indirect.gather [hbm4b:s1+s31], $0x80, s21, s31, $0xb8;
	[tilespmem:$0x19C00] =	vst v63  }
0xb7: {  	_ =	swait.ge [sflag:s16], $0x4000  }
0xb8: {  	[sflag:s16] =	ssyncset.done $0x0  }
0xb9: {  	s30 =	simm.s32 $0x1880;
	[sflag:s16] =	ssyncadd.s32 $0xFFFFC000  }
0xba: {  	[tilespmem:s7], [sflag:$0x7] =	stream.indirect.gather [hbm4b:s1+s31], $0x80, s30, s31, $0xb8;
	[tilespmem:$0x19C00] =	vst v63  }
0xbb: {  	_ =	swait.ge [sflag:s8], $0x4000  }
0xbc: {  	[sflag:s8] =	ssyncset.done $0x0  }
0xbd: {  	s19 =	rddreg [dreg:$0xd];
	[sflag:s8] =	ssyncadd.s32 $0xFFFFC000  }
0xbe: {  	[hbm4b:s19+s4] =	stream.linear.scatter [tilespmem:s0], [sflag:$0x8], $0x4000, $0x38;
	[tilespmem:$0x19C00] =	vst v63  }
0xbf: {  	_ =	swait.ge [sflag:s9], $0x4000  }
0xc0: {  	[sflag:s9] =	ssyncset.done $0x0  }
0xc1: {  	s20 =	rddreg [dreg:$0xe];
	[sflag:s9] =	ssyncadd.s32 $0xFFFFC000  }
0xc2: {  	[hbm4b:s20+s4] =	stream.linear.scatter [tilespmem:s2], [sflag:$0x9], $0x4000, $0x38;
	[tilespmem:$0x19C00] =	vst v63  }
0xc3: {  	_ =	swait.ge [sflag:s10], $0x4000  }
0xc4: {  	[sflag:s10] =	ssyncset.done $0x0  }
0xc5: {  	s22 =	rddreg [dreg:$0xf];
	[sflag:s10] =	ssyncadd.s32 $0xFFFFC000  }
0xc6: {  	[hbm4b:s22+s4] =	stream.linear.scatter [tilespmem:s26], [sflag:$0xA], $0x4000, $0x38;
	[tilespmem:$0x19C00] =	vst v63  }
0xc7: {  	_ =	swait.ge [sflag:s11], $0x4000  }
0xc8: {  	[sflag:s11] =	ssyncset.done $0x0  }
0xc9: {  	s28 =	rddreg [dreg:$0x10];
	[sflag:s11] =	ssyncadd.s32 $0xFFFFC000  }
0xca: {  	[hbm4b:s28+s4] =	stream.linear.scatter [tilespmem:s25], [sflag:$0xB], $0x4000, $0x38;
	[tilespmem:$0x19C00] =	vst v63  }
0xcb: {  	_ =	swait.ge [sflag:s12], $0x4000  }
0xcc: {  	[sflag:s12] =	ssyncset.done $0x0  }
0xcd: {  	s29 =	rddreg [dreg:$0x11];
	[sflag:s12] =	ssyncadd.s32 $0xFFFFC000  }
0xce: {  	[hbm4b:s29+s4] =	stream.linear.scatter [tilespmem:s7], [sflag:$0xC], $0x4000, $0x38;
	[tilespmem:$0x19C00] =	vst v63  }
0xcf: {  	_ =	swait.ge [sflag:s5], $0x4000  }
0xd0: {  	[sflag:s5] =	ssyncset.done $0x0  }
0xd1: {  	[sflag:s5] =	ssyncadd.s32 $0xFFFFC000  }
0xd2: {  	_ =	swait.ge [sflag:s13], $0x4000  }
0xd3: {  	[sflag:s13] =	ssyncset.done $0x0  }
0xd4: {  	[sflag:s13] =	ssyncadd.s32 $0xFFFFC000  }
0xd5: {  	_ =	swait.ge [sflag:s14], $0x4000  }
0xd6: {  	[sflag:s14] =	ssyncset.done $0x0  }
0xd7: {  	[sflag:s14] =	ssyncadd.s32 $0xFFFFC000  }
0xd8: {  	_ =	swait.ge [sflag:s15], $0x4000  }
0xd9: {  	[sflag:s15] =	ssyncset.done $0x0  }
0xda: {  	[sflag:s15] =	ssyncadd.s32 $0xFFFFC000  }
0xdb: {  	_ =	swait.ge [sflag:s16], $0x4000  }
0xdc: {  	[sflag:s16] =	ssyncset.done $0x0  }
0xdd: {  	[sflag:s16] =	ssyncadd.s32 $0xFFFFC000  }
0xde: {  	_ =	swait.ge [sflag:s17], $0x4000  }
0xdf: {  	[sflag:s17] =	ssyncset.done $0x0  }
0xe0: {  	[sflag:s17] =	ssyncadd.s32 $0xFFFFC000  }
0xe1: {  	_ =	swait.ge [sflag:s17], $0x4000  }
0xe2: {  	s18 =	sadd.s32 $0x1, s18;
	s30 =	rddreg [dreg:$0x12]  }
0xe3: {  	p0 =	sne.s32 s18, s30  }
.Ltmp2:
0xe4: {  	_ = 	snop;
	(pc) =	sbr.rel @p0 .LBB2_1-.Ltmp2, $3  }
0xe5: {  	_ =	sdelay $0x1  }
0xe6: {  	[sflag:s17] =	ssyncset.done $0x0  }
0xe7: {  	[sflag:s17] =	ssyncadd.s32 $0xFFFFC000  }
0xe8: {  	_ =	sfence.sel $0x180000  }
0xe9: {  	[bflag:$0x0] =	sbarrier.arrive $0xFFFF  }
0xea: {  	_ =	strace $0x90000047  }
0xeb: {  	s0 =	stileid.u32;
	[bflag:$0x2] =	sbarrier.arrive $0xFFFF  }
0xec: {  	p0 =	sne.s32 s0, $0x0;
	s0 =	rddreg [dreg:$0x3]  }
0xed: {  	s0 =	sadd.s32 @!p0 $0x100000, s0  }
0xee: {  	[sflag:s0] =	ssyncadd.tile.s32 @!p0 $0x1;
	_ =	shalt  }
.Lfunc_end2:
_tile_overlayer_lowered:
.L_overlay_start_2:
0xef: {  	(tag) =	ssettag $0x2  }
0xf0: {  	s0 =	rddreg [dreg:$0x0];
	s2 =	stileid.u32  }
0xf1: {  	s1 =	rddreg [dreg:$0x1];
	p0 =	sne.s32 s2, $0x0  }
0xf2: {  	s3 =	rddreg [dreg:$0x2];
	[bflag:$0x3] =	sbarrier.arrive $0xFFFF;
	s2 =	simm.s32 @!p0 $0x1C0D  }
0xf3: {  	[timem:s3], [sflag:s2] =	dma.local @!p0 [hbm:s0], s1  }
0xf4: {  	s0 =	simm.s32 @!p0 $0xD  }
0xf5: {  	_ =	swait.ge @!p0 [sflag:s0], s1  }
0xf6: {  	s1 =	ssub.s32 @!p0 $0x0, s1;
	[sflag:s0] =	ssyncset.done @!p0 $0x0  }
0xf7: {  	[sflag:s0] =	ssyncadd.s32 @!p0 s1  }
0xf8: {  	[bflag:$0x3] =	sbarrier.arrive $0xFFFF  }
0xf9: {  	_ =	shalt  }

</sc_bundles>
